<compile_context>
chip_gen: v7x
topology: tpu7x:2x2x1
jax: 0.10.2.dev20260603
libtpu: 0.0.44.dev20260713+nightly
codegen_flags: <defaults>
</compile_context>

<pallas_src>
import functools

import jax
import jax.numpy as jnp
from jax import lax
from jax.experimental import pallas as pl
from jax.experimental.pallas import tpu as pltpu
from jax.experimental.pallas import tpu_sc as plsc

N = 10000
E = 320000
D = 128
B = 64

NC = 2
NS = 16
NW = NC * NS
CHUNK = 128
NCHUNK = 80
TOTCH = NW * NCHUNK
NCH0 = 128
NCH1 = 32
NCMAX = max(NCH0, NCH1)
NRING = 1
E_PAD = TOTCH * CHUNK
NPAD = 10112
RPT = NPAD // NS

_mesh = plsc.VectorSubcoreMesh(
    core_axis_name="c", subcore_axis_name="s", num_cores=NC, num_subcores=NS)

_sc_params = pltpu.CompilerParams(use_tc_tiling_on_sc=False)

_f32 = jnp.float32



@functools.partial(
    pl.kernel,
    out_type=[jax.ShapeDtypeStruct((NPAD, 16), _f32),
              jax.ShapeDtypeStruct((NPAD, 16), _f32)],
    mesh=_mesh,
    scratch_types=[
        pltpu.VMEM((NCHUNK, CHUNK), jnp.int32),
        pltpu.VMEM((CHUNK, 16), _f32),
        pltpu.VMEM((RPT, 16), _f32),
        pltpu.VMEM_SHARED((NPAD, 16), _f32),
    ],
    compiler_params=_sc_params,
)
def _sc_degree(dst_hbm, out0, out1, dst_v, ones_v, zb_v, acc):
    c = lax.axis_index("c")
    s = lax.axis_index("s")
    wid = s * NC + c
    ones16 = jnp.ones((16,), _f32)
    zeros16 = jnp.zeros((16,), _f32)

    def fill_ones(i, _):
        ones_v[i] = ones16
        return 0
    lax.fori_loop(0, CHUNK, fill_ones, 0)

    def fill_zeros(i, _):
        zb_v[i] = zeros16
        return 0
    lax.fori_loop(0, RPT, fill_zeros, 0)

    pltpu.sync_copy(zb_v, acc.at[pl.ds(s * RPT, RPT)])
    pltpu.sync_copy(dst_hbm.at[wid], dst_v)
    plsc.subcore_barrier()

    def body(j, _):
        pltpu.sync_copy(ones_v, acc.at[dst_v.at[j]], add=True)
        return 0
    lax.fori_loop(0, NCHUNK, body, 0)

    plsc.subcore_barrier()

    @pl.when(c == 0)
    def _():
        pltpu.sync_copy(acc.at[pl.ds(s * RPT, RPT)], out0.at[pl.ds(s * RPT, RPT)])

    @pl.when(c == 1)
    def _():
        pltpu.sync_copy(acc.at[pl.ds(s * RPT, RPT)], out1.at[pl.ds(s * RPT, RPT)])



@functools.partial(
    pl.kernel,
    out_type=[jax.ShapeDtypeStruct((NPAD, D), _f32),
              jax.ShapeDtypeStruct((NPAD, D), _f32)],
    mesh=_mesh,
    scratch_types=[
        pltpu.VMEM((NCMAX, CHUNK), jnp.int32),
        pltpu.VMEM((NCMAX, CHUNK), jnp.int32),
        [pltpu.VMEM((CHUNK, D), _f32)] * NRING,
        [pltpu.SemaphoreType.DMA] * NRING,
        pltpu.VMEM_SHARED((NPAD, D), _f32),
    ],
    compiler_params=_sc_params,
)
def _sc_scatter(g_hbm, src_hbm, dst_hbm, out0, out1,
                src_v, dst_v, rows, gsem, acc):
    c = lax.axis_index("c")
    s = lax.axis_index("s")
    zeros16 = jnp.zeros((16,), _f32)

    def zrow(r, _):
        def zcol(k, _2):
            rows[0][r, pl.ds(k * 16, 16)] = zeros16
            return 0
        lax.fori_loop(0, D // 16, zcol, 0)
        return 0
    lax.fori_loop(0, CHUNK, zrow, 0)

    for k in range(RPT // CHUNK):
        pltpu.sync_copy(rows[0], acc.at[pl.ds(s * RPT + k * CHUNK, CHUNK)])
    rem = RPT % CHUNK
    pltpu.sync_copy(rows[0].at[pl.ds(0, rem)],
                    acc.at[pl.ds(s * RPT + (RPT // CHUNK) * CHUNK, rem)])

    def body(j, _):
        pltpu.async_copy(g_hbm.at[src_v.at[j]], rows[0], gsem[0]).wait()
        pltpu.sync_copy(rows[0], acc.at[dst_v.at[j]], add=True)
        return 0

    @pl.when(c == 0)
    def _():
        base = s * NCH0
        pltpu.sync_copy(src_hbm.at[pl.ds(base, NCH0)], src_v.at[pl.ds(0, NCH0)])
        pltpu.sync_copy(dst_hbm.at[pl.ds(base, NCH0)], dst_v.at[pl.ds(0, NCH0)])
        plsc.subcore_barrier()
        lax.fori_loop(0, NCH0, body, 0)

    @pl.when(c == 1)
    def _():
        base = NS * NCH0 + s * NCH1
        pltpu.sync_copy(src_hbm.at[pl.ds(base, NCH1)], src_v.at[pl.ds(0, NCH1)])
        pltpu.sync_copy(dst_hbm.at[pl.ds(base, NCH1)], dst_v.at[pl.ds(0, NCH1)])
        plsc.subcore_barrier()
        lax.fori_loop(0, NCH1, body, 0)

    plsc.subcore_barrier()

    @pl.when(c == 0)
    def _():
        pltpu.sync_copy(acc.at[pl.ds(s * RPT, RPT)], out0.at[pl.ds(s * RPT, RPT)])

    @pl.when(c == 1)
    def _():
        pltpu.sync_copy(acc.at[pl.ds(s * RPT, RPT)], out1.at[pl.ds(s * RPT, RPT)])



RB = 1000
_HI = jax.lax.Precision.HIGHEST


def _tc1a_body(xr, w1, ho):
    ho[...] = jnp.dot(xr[...], w1[...], preferred_element_type=_f32,
                      precision=_HI)


def _tc1b_body(d0, d1, hr, g1o, dvo):
    deg = 1.0 + d0[:, :1] + d1[:, :1]
    dv = jax.lax.rsqrt(deg)
    g1o[...] = hr[...] * dv
    dvo[...] = dv


def _tc2_body(a0, a1, g1r, dv, b1r, w2, g2o):
    z = (a0[...] + a1[...] + g1r[...]) * dv[...] + b1r[...]
    z = jnp.maximum(z, 0.0)
    g2o[...] = jnp.dot(z, w2[...], preferred_element_type=_f32,
                       precision=_HI) * dv[...]


def _tc3_body(a0, a1, g2r, dv, b2r, batch_r, out_ref, acc, cnt):
    i = pl.program_id(0)

    @pl.when(i == 0)
    def _():
        acc[...] = jnp.zeros_like(acc)
        cnt[...] = jnp.zeros_like(cnt)

    h = (a0[...] + a1[...] + g2r[...]) * dv[...] + b2r[...]
    bvec = batch_r[0]
    onehot = (lax.broadcasted_iota(jnp.int32, (B, RB), 0) == bvec).astype(_f32)
    acc[...] += jnp.dot(onehot, h, preferred_element_type=_f32, precision=_HI)
    cnt[...] += jnp.sum(onehot, axis=1, keepdims=True)

    @pl.when(i == pl.num_programs(0) - 1)
    def _():
        out_ref[...] = acc[...] / jnp.maximum(cnt[...], 1.0)


def _row_spec(w):
    return pl.BlockSpec((RB, w), lambda i: (i, 0))


def _const_spec(shape):
    return pl.BlockSpec(shape, lambda i: (0, 0))


def kernel(x, edge_index, batch, W1, b1, W2, b2):
    src = edge_index[0]
    dst = edge_index[1]
    pad = E_PAD - E
    src_p = jnp.concatenate([src, jnp.zeros((pad,), jnp.int32)])
    dst_p = jnp.concatenate([dst, jnp.full((pad,), N, jnp.int32)])
    src_f = src_p.reshape(TOTCH, CHUNK)
    dst_f = dst_p.reshape(TOTCH, CHUNK)
    dst_c = dst_p.reshape(NW, NCHUNK, CHUNK)
    b1r = b1.reshape(1, D)
    b2r = b2.reshape(1, D)
    batch_r = batch.reshape(N // RB, 1, RB)

    degp0, degp1 = _sc_degree(dst_c)

    h1 = pl.pallas_call(
        _tc1a_body,
        grid=(N // RB,),
        in_specs=[_row_spec(D), _const_spec((D, D))],
        out_specs=_row_spec(D),
        out_shape=jax.ShapeDtypeStruct((N, D), _f32),
    )(x, W1)

    g1, dinv = pl.pallas_call(
        _tc1b_body,
        grid=(N // RB,),
        in_specs=[_row_spec(16), _row_spec(16), _row_spec(D)],
        out_specs=[_row_spec(D), _row_spec(1)],
        out_shape=[jax.ShapeDtypeStruct((N, D), _f32),
                   jax.ShapeDtypeStruct((N, 1), _f32)],
    )(degp0, degp1, h1)

    a0, a1 = _sc_scatter(g1, src_f, dst_f)

    g2 = pl.pallas_call(
        _tc2_body,
        grid=(N // RB,),
        in_specs=[_row_spec(D), _row_spec(D), _row_spec(D), _row_spec(1),
                  _const_spec((1, D)), _const_spec((D, D))],
        out_specs=_row_spec(D),
        out_shape=jax.ShapeDtypeStruct((N, D), _f32),
    )(a0, a1, g1, dinv, b1r, W2)

    c0, c1 = _sc_scatter(g2, src_f, dst_f)

    out = pl.pallas_call(
        _tc3_body,
        grid=(N // RB,),
        in_specs=[_row_spec(D), _row_spec(D), _row_spec(D), _row_spec(1),
                  _const_spec((1, D)),
                  pl.BlockSpec((1, 1, RB), lambda i: (i, 0, 0))],
        out_specs=_const_spec((B, D)),
        out_shape=jax.ShapeDtypeStruct((B, D), _f32),
        scratch_shapes=[pltpu.VMEM((B, D), _f32), pltpu.VMEM((B, D), _f32)],
    )(c0, c1, g2, dinv, b2r, batch_r)

    return out

# --- scband reference (transcript-rebuilt; emitter-appended) ---
"""Pipeline reference for scband-graph-encoder-7842610283501 (READ-ONLY COPY).

The authoritative reference and input builder live on the scoring server;
editing this copy changes nothing except your own understanding.
"""

import jax, jax.numpy as jnp
import numpy as np

N = 10000
E = 320000
D_IN = 128
D_HID = 128
D_OUT = 128
B = 64


def setup_inputs(seed: int = 0) -> dict:
    key = jax.random.key(seed)
    ks = jax.random.split(key, 8)
    x = jax.random.normal(ks[0], (N, D_IN), dtype=jnp.float32)
    edge_index = jax.random.randint(ks[1], (2, E), 0, N, dtype=jnp.int32)
    batch = jnp.sort(jax.random.randint(ks[2], (N,), 0, B, dtype=jnp.int32))
    W1 = jax.random.normal(ks[3], (D_IN, D_HID), dtype=jnp.float32) * (1.0 / np.sqrt(D_IN))
    b1 = jnp.zeros((D_HID,), dtype=jnp.float32)
    W2 = jax.random.normal(ks[4], (D_HID, D_OUT), dtype=jnp.float32) * (1.0 / np.sqrt(D_HID))
    b2 = jnp.zeros((D_OUT,), dtype=jnp.float32)
    return {"x": x, "edge_index": edge_index, "batch": batch, "W1": W1, "b1": b1, "W2": W2, "b2": b2}


def _gcn_conv(x, src, dst, W, b, num_nodes):
    # GCNConv with self-loops and symmetric normalization (PyG semantics)
    loop = jnp.arange(num_nodes, dtype=src.dtype)
    s = jnp.concatenate([src, loop])
    d = jnp.concatenate([dst, loop])
    deg = jnp.zeros((num_nodes,), dtype=x.dtype).at[d].add(1.0)
    dinv = jnp.where(deg > 0, deg ** -0.5, 0.0)
    norm = dinv[s] * dinv[d]
    h = x @ W
    msg = h[s] * norm[:, None]
    out = jnp.zeros((num_nodes, W.shape[1]), dtype=x.dtype).at[d].add(msg)
    return out + b


def _global_mean_pool(x, batch, num_graphs):
    sums = jax.ops.segment_sum(x, batch, num_segments=num_graphs)
    counts = jax.ops.segment_sum(jnp.ones((x.shape[0],), dtype=x.dtype), batch, num_segments=num_graphs)
    counts = jnp.maximum(counts, 1.0)
    return sums / counts[:, None]


def reference(x, edge_index, batch, W1, b1, W2, b2):
    src = edge_index[0]
    dst = edge_index[1]
    h = _gcn_conv(x, src, dst, W1, b1, N)
    h = jax.nn.relu(h)
    h = _gcn_conv(h, src, dst, W2, b2, N)
    out = _global_mean_pool(h, batch, B)
    return out

if __name__ == "__main__":
    import jax
    _d = setup_inputs()
    print(jax.jit(kernel)(*tuple(_d.values())))

</pallas_src>

<mosaic_0001>
#map = affine_map<(d0, d1) -> (0, 0)>
module attributes {stable_mosaic.version = 14 : i64} {
  func.func @_sc_scatter(%arg0: i32, %arg1: i32, %arg2: memref<10000x128xf32, #tpu.memory_space<hbm>>, %arg3: memref<2560x128xi32, #tpu.memory_space<hbm>>, %arg4: memref<2560x128xi32, #tpu.memory_space<hbm>>, %arg5: memref<10112x128xf32, #tpu.memory_space<hbm>>, %arg6: memref<10112x128xf32, #tpu.memory_space<hbm>>, %arg7: memref<128x128xi32, #tpu.memory_space<vmem>>, %arg8: memref<128x128xi32, #tpu.memory_space<vmem>>, %arg9: memref<128x128xf32, #tpu.memory_space<vmem>>, %arg10: memref<!tpu.dma_semaphore, #tpu.memory_space<semaphore_mem>>, %arg11: memref<10112x128xf32, #tpu.memory_space<vmem_shared>>) attributes {dimension_semantics = [#tpu.dimension_semantics<core_parallel>, #tpu.dimension_semantics<subcore_parallel>], iteration_bounds = array<i64: 2, 16>, scalar_prefetch = 0 : i64, scratch_operands = 5 : i64, tpu.core_type = #tpu.core_type<sc_vector_subcore>, window_params = [{transform_indices = #map}, {transform_indices = #map}, {transform_indices = #map}, {transform_indices = #map}, {transform_indices = #map}]} {
    %broadcast_in_dim3A = arith.constant 0.000000e+00 : f32
    %broadcast_in_dim3A_0 = vector.broadcast %broadcast_in_dim3A : f32 to vector<16xf32>
    %scan3A = arith.constant 0 : i32
    %scan3A_1 = arith.constant 0 : i32
    %scan3A_2 = arith.constant 128 : i32
    %scan3A_3 = arith.addi %scan3A_1, %scan3A_2 : i32
    %scan3A_4 = arith.constant 1 : i32
    %scan3A_5 = scf.for %scan3A_42 = %scan3A_1 to %scan3A_3 step %scan3A_4 iter_args(%scan3A_43 = %scan3A) -> (i32)  : i32 {
      %scan3A_44 = arith.constant 0 : i32
      %scan3A_45 = arith.constant 0 : i32
      %scan3A_46 = arith.constant 8 : i32
      %scan3A_47 = arith.addi %scan3A_45, %scan3A_46 : i32
      %scan3A_48 = arith.constant 1 : i32
      %scan3A_49 = scf.for %scan3A_52 = %scan3A_45 to %scan3A_47 step %scan3A_48 iter_args(%scan3A_53 = %scan3A_44) -> (i32)  : i32 {
        %mul3A_54 = arith.constant 16 : i32
        %mul3A_55 = arith.muli %scan3A_52, %mul3A_54 : i32
        %swap3A = arith.index_cast %scan3A_42 : i32 to index
        %swap3A_56 = arith.index_cast %mul3A_55 : i32 to index
        %swap3A_57 = tpu.vector_load %arg9[%swap3A, %swap3A_56] {strides = array<i32>} : memref<128x128xf32, #tpu.memory_space<vmem>>, vector<1x16xf32>,
        %swap3A_58 = vector.shape_cast %swap3A_57 : vector<1x16xf32> to vector<16xf32>
        %swap3A_59 = vector.shape_cast %broadcast_in_dim3A_0 : vector<16xf32> to vector<1x16xf32>
        tpu.vector_store %arg9[%swap3A, %swap3A_56], %swap3A_59 {strides = array<i32>} : memref<128x128xf32, #tpu.memory_space<vmem>>, vector<1x16xf32>,
        %scan3A_60 = arith.constant 0 : i32
        scf.yield %scan3A_60 : i32
      }
      %scan3A_50 = arith.constant 8 : i32
      %scan3A_51 = arith.constant 0 : i32
      scf.yield %scan3A_51 : i32
    }
    %scan3A_6 = arith.constant 128 : i32
    %mul3A = arith.constant 632 : i32
    %mul3A_7 = arith.muli %arg1, %mul3A : i32
    %add3A = arith.constant 0 : i32
    %add3A_8 = arith.addi %mul3A_7, %add3A : i32
    "tpu.region"() ({
      %run_scoped3A = tpu.sem_alloc : memref<!tpu.dma_semaphore, #tpu.memory_space<semaphore_mem>>
      %dma_start3A = arith.constant 0 : i32
      %dma_start3A_42 = tpu.memref_slice %arg11[%add3A_8, %dma_start3A] : memref<10112x128xf32, #tpu.memory_space<vmem_shared>> -> memref<128x128xf32, #tpu.memory_space<vmem_shared>>
      %dma_start3A_43 = arith.constant 0 : i32
      %dma_start3A_44 = tpu.memref_slice %arg11[%add3A_8, %dma_start3A_43] : memref<10112x128xf32, #tpu.memory_space<vmem_shared>> -> memref<128x128xf32, #tpu.memory_space<vmem_shared>>
      tpu.enqueue_dma source(%arg9 : memref<128x128xf32, #tpu.memory_space<vmem>>) target(%dma_start3A_44 : memref<128x128xf32, #tpu.memory_space<vmem_shared>>) target_semaphore(%run_scoped3A : memref<!tpu.dma_semaphore, #tpu.memory_space<semaphore_mem>>)
      %dma_wait3A = arith.constant 0 : i32
      %dma_wait3A_45 = tpu.memref_slice %arg11[%add3A_8, %dma_wait3A] : memref<10112x128xf32, #tpu.memory_space<vmem_shared>> -> memref<128x128xf32, #tpu.memory_space<vmem_shared>>
      %dma_wait3A_46 = arith.constant 0 : i32
      %dma_wait3A_47 = tpu.memref_slice %arg11[%add3A_8, %dma_wait3A_46] : memref<10112x128xf32, #tpu.memory_space<vmem_shared>> -> memref<128x128xf32, #tpu.memory_space<vmem_shared>>
      tpu.wait_dma2 semaphore(%run_scoped3A : memref<!tpu.dma_semaphore, #tpu.memory_space<semaphore_mem>>) src(%arg9 : memref<128x128xf32, #tpu.memory_space<vmem>>) dst(%dma_wait3A_47 : memref<128x128xf32, #tpu.memory_space<vmem_shared>>)
      tpu.yield
    }) : () -> ()
    %mul3A_9 = arith.constant 632 : i32
    %mul3A_10 = arith.muli %arg1, %mul3A_9 : i32
    %add3A_11 = arith.constant 128 : i32
    %add3A_12 = arith.addi %mul3A_10, %add3A_11 : i32
    "tpu.region"() ({
      %run_scoped3A = tpu.sem_alloc : memref<!tpu.dma_semaphore, #tpu.memory_space<semaphore_mem>>
      %dma_start3A = arith.constant 0 : i32
      %dma_start3A_42 = tpu.memref_slice %arg11[%add3A_12, %dma_start3A] : memref<10112x128xf32, #tpu.memory_space<vmem_shared>> -> memref<128x128xf32, #tpu.memory_space<vmem_shared>>
      %dma_start3A_43 = arith.constant 0 : i32
      %dma_start3A_44 = tpu.memref_slice %arg11[%add3A_12, %dma_start3A_43] : memref<10112x128xf32, #tpu.memory_space<vmem_shared>> -> memref<128x128xf32, #tpu.memory_space<vmem_shared>>
      tpu.enqueue_dma source(%arg9 : memref<128x128xf32, #tpu.memory_space<vmem>>) target(%dma_start3A_44 : memref<128x128xf32, #tpu.memory_space<vmem_shared>>) target_semaphore(%run_scoped3A : memref<!tpu.dma_semaphore, #tpu.memory_space<semaphore_mem>>)
      %dma_wait3A = arith.constant 0 : i32
      %dma_wait3A_45 = tpu.memref_slice %arg11[%add3A_12, %dma_wait3A] : memref<10112x128xf32, #tpu.memory_space<vmem_shared>> -> memref<128x128xf32, #tpu.memory_space<vmem_shared>>
      %dma_wait3A_46 = arith.constant 0 : i32
      %dma_wait3A_47 = tpu.memref_slice %arg11[%add3A_12, %dma_wait3A_46] : memref<10112x128xf32, #tpu.memory_space<vmem_shared>> -> memref<128x128xf32, #tpu.memory_space<vmem_shared>>
      tpu.wait_dma2 semaphore(%run_scoped3A : memref<!tpu.dma_semaphore, #tpu.memory_space<semaphore_mem>>) src(%arg9 : memref<128x128xf32, #tpu.memory_space<vmem>>) dst(%dma_wait3A_47 : memref<128x128xf32, #tpu.memory_space<vmem_shared>>)
      tpu.yield
    }) : () -> ()
    %mul3A_13 = arith.constant 632 : i32
    %mul3A_14 = arith.muli %arg1, %mul3A_13 : i32
    %add3A_15 = arith.constant 256 : i32
    %add3A_16 = arith.addi %mul3A_14, %add3A_15 : i32
    "tpu.region"() ({
      %run_scoped3A = tpu.sem_alloc : memref<!tpu.dma_semaphore, #tpu.memory_space<semaphore_mem>>
      %dma_start3A = arith.constant 0 : i32
      %dma_start3A_42 = tpu.memref_slice %arg11[%add3A_16, %dma_start3A] : memref<10112x128xf32, #tpu.memory_space<vmem_shared>> -> memref<128x128xf32, #tpu.memory_space<vmem_shared>>
      %dma_start3A_43 = arith.constant 0 : i32
      %dma_start3A_44 = tpu.memref_slice %arg11[%add3A_16, %dma_start3A_43] : memref<10112x128xf32, #tpu.memory_space<vmem_shared>> -> memref<128x128xf32, #tpu.memory_space<vmem_shared>>
      tpu.enqueue_dma source(%arg9 : memref<128x128xf32, #tpu.memory_space<vmem>>) target(%dma_start3A_44 : memref<128x128xf32, #tpu.memory_space<vmem_shared>>) target_semaphore(%run_scoped3A : memref<!tpu.dma_semaphore, #tpu.memory_space<semaphore_mem>>)
      %dma_wait3A = arith.constant 0 : i32
      %dma_wait3A_45 = tpu.memref_slice %arg11[%add3A_16, %dma_wait3A] : memref<10112x128xf32, #tpu.memory_space<vmem_shared>> -> memref<128x128xf32, #tpu.memory_space<vmem_shared>>
      %dma_wait3A_46 = arith.constant 0 : i32
      %dma_wait3A_47 = tpu.memref_slice %arg11[%add3A_16, %dma_wait3A_46] : memref<10112x128xf32, #tpu.memory_space<vmem_shared>> -> memref<128x128xf32, #tpu.memory_space<vmem_shared>>
      tpu.wait_dma2 semaphore(%run_scoped3A : memref<!tpu.dma_semaphore, #tpu.memory_space<semaphore_mem>>) src(%arg9 : memref<128x128xf32, #tpu.memory_space<vmem>>) dst(%dma_wait3A_47 : memref<128x128xf32, #tpu.memory_space<vmem_shared>>)
      tpu.yield
    }) : () -> ()
    %mul3A_17 = arith.constant 632 : i32
    %mul3A_18 = arith.muli %arg1, %mul3A_17 : i32
    %add3A_19 = arith.constant 384 : i32
    %add3A_20 = arith.addi %mul3A_18, %add3A_19 : i32
    "tpu.region"() ({
      %run_scoped3A = tpu.sem_alloc : memref<!tpu.dma_semaphore, #tpu.memory_space<semaphore_mem>>
      %dma_start3A = arith.constant 0 : i32
      %dma_start3A_42 = tpu.memref_slice %arg11[%add3A_20, %dma_start3A] : memref<10112x128xf32, #tpu.memory_space<vmem_shared>> -> memref<128x128xf32, #tpu.memory_space<vmem_shared>>
      %dma_start3A_43 = arith.constant 0 : i32
      %dma_start3A_44 = tpu.memref_slice %arg11[%add3A_20, %dma_start3A_43] : memref<10112x128xf32, #tpu.memory_space<vmem_shared>> -> memref<128x128xf32, #tpu.memory_space<vmem_shared>>
      tpu.enqueue_dma source(%arg9 : memref<128x128xf32, #tpu.memory_space<vmem>>) target(%dma_start3A_44 : memref<128x128xf32, #tpu.memory_space<vmem_shared>>) target_semaphore(%run_scoped3A : memref<!tpu.dma_semaphore, #tpu.memory_space<semaphore_mem>>)
      %dma_wait3A = arith.constant 0 : i32
      %dma_wait3A_45 = tpu.memref_slice %arg11[%add3A_20, %dma_wait3A] : memref<10112x128xf32, #tpu.memory_space<vmem_shared>> -> memref<128x128xf32, #tpu.memory_space<vmem_shared>>
      %dma_wait3A_46 = arith.constant 0 : i32
      %dma_wait3A_47 = tpu.memref_slice %arg11[%add3A_20, %dma_wait3A_46] : memref<10112x128xf32, #tpu.memory_space<vmem_shared>> -> memref<128x128xf32, #tpu.memory_space<vmem_shared>>
      tpu.wait_dma2 semaphore(%run_scoped3A : memref<!tpu.dma_semaphore, #tpu.memory_space<semaphore_mem>>) src(%arg9 : memref<128x128xf32, #tpu.memory_space<vmem>>) dst(%dma_wait3A_47 : memref<128x128xf32, #tpu.memory_space<vmem_shared>>)
      tpu.yield
    }) : () -> ()
    %mul3A_21 = arith.constant 632 : i32
    %mul3A_22 = arith.muli %arg1, %mul3A_21 : i32
    %add3A_23 = arith.constant 512 : i32
    %add3A_24 = arith.addi %mul3A_22, %add3A_23 : i32
    "tpu.region"() ({
      %run_scoped3A = tpu.sem_alloc : memref<!tpu.dma_semaphore, #tpu.memory_space<semaphore_mem>>
      %dma_start3A = arith.constant 0 : i32
      %dma_start3A_42 = arith.constant 0 : i32
      %dma_start3A_43 = tpu.memref_slice %arg9[%dma_start3A, %dma_start3A_42] : memref<128x128xf32, #tpu.memory_space<vmem>> -> memref<120x128xf32, #tpu.memory_space<vmem>>
      %dma_start3A_44 = arith.constant 0 : i32
      %dma_start3A_45 = tpu.memref_slice %arg11[%add3A_24, %dma_start3A_44] : memref<10112x128xf32, #tpu.memory_space<vmem_shared>> -> memref<120x128xf32, #tpu.memory_space<vmem_shared>>
      %dma_start3A_46 = arith.constant 0 : i32
      %dma_start3A_47 = tpu.memref_slice %arg11[%add3A_24, %dma_start3A_46] : memref<10112x128xf32, #tpu.memory_space<vmem_shared>> -> memref<120x128xf32, #tpu.memory_space<vmem_shared>>
      %dma_start3A_48 = arith.constant 0 : i32
      %dma_start3A_49 = arith.constant 0 : i32
      %dma_start3A_50 = tpu.memref_slice %arg9[%dma_start3A_48, %dma_start3A_49] : memref<128x128xf32, #tpu.memory_space<vmem>> -> memref<120x128xf32, #tpu.memory_space<vmem>>
      tpu.enqueue_dma source(%dma_start3A_50 : memref<120x128xf32, #tpu.memory_space<vmem>>) target(%dma_start3A_47 : memref<120x128xf32, #tpu.memory_space<vmem_shared>>) target_semaphore(%run_scoped3A : memref<!tpu.dma_semaphore, #tpu.memory_space<semaphore_mem>>)
      %dma_wait3A = arith.constant 0 : i32
      %dma_wait3A_51 = arith.constant 0 : i32
      %dma_wait3A_52 = tpu.memref_slice %arg9[%dma_wait3A, %dma_wait3A_51] : memref<128x128xf32, #tpu.memory_space<vmem>> -> memref<120x128xf32, #tpu.memory_space<vmem>>
      %dma_wait3A_53 = arith.constant 0 : i32
      %dma_wait3A_54 = tpu.memref_slice %arg11[%add3A_24, %dma_wait3A_53] : memref<10112x128xf32, #tpu.memory_space<vmem_shared>> -> memref<120x128xf32, #tpu.memory_space<vmem_shared>>
      %dma_wait3A_55 = arith.constant 0 : i32
      %dma_wait3A_56 = tpu.memref_slice %arg11[%add3A_24, %dma_wait3A_55] : memref<10112x128xf32, #tpu.memory_space<vmem_shared>> -> memref<120x128xf32, #tpu.memory_space<vmem_shared>>
      %dma_wait3A_57 = arith.constant 0 : i32
      %dma_wait3A_58 = arith.constant 0 : i32
      %dma_wait3A_59 = tpu.memref_slice %arg9[%dma_wait3A_57, %dma_wait3A_58] : memref<128x128xf32, #tpu.memory_space<vmem>> -> memref<120x128xf32, #tpu.memory_space<vmem>>
      tpu.wait_dma2 semaphore(%run_scoped3A : memref<!tpu.dma_semaphore, #tpu.memory_space<semaphore_mem>>) src(%dma_wait3A_59 : memref<120x128xf32, #tpu.memory_space<vmem>>) dst(%dma_wait3A_56 : memref<120x128xf32, #tpu.memory_space<vmem_shared>>)
      tpu.yield
    }) : () -> ()
    %eq3A = arith.constant 0 : i32
    %eq3A_25 = arith.cmpi eq, %arg0, %eq3A : i32
    %convert_element_type3A = arith.extui %eq3A_25 : i1 to i32
    %cond3A = arith.constant 0 : i32
    %cond3A_26 = arith.cmpi ne, %convert_element_type3A, %cond3A : i32
    scf.if %cond3A_26 {
      %mul3A_42 = arith.constant 128 : i32
      %mul3A_43 = arith.muli %arg1, %mul3A_42 : i32
      "tpu.region"() ({
        %run_scoped3A = tpu.sem_alloc : memref<!tpu.dma_semaphore, #tpu.memory_space<semaphore_mem>>
        %dma_start3A = arith.constant 0 : i32
        %dma_start3A_52 = arith.constant 0 : i32
        %dma_start3A_53 = tpu.memref_slice %arg7[%dma_start3A, %dma_start3A_52] : memref<128x128xi32, #tpu.memory_space<vmem>> -> memref<128x128xi32, #tpu.memory_space<vmem>>
        %dma_start3A_54 = arith.constant 0 : i32
        %dma_start3A_55 = tpu.memref_slice %arg3[%mul3A_43, %dma_start3A_54] : memref<2560x128xi32, #tpu.memory_space<hbm>> -> memref<128x128xi32, #tpu.memory_space<hbm>>
        %dma_start3A_56 = arith.constant 0 : i32
        %dma_start3A_57 = arith.constant 0 : i32
        %dma_start3A_58 = tpu.memref_slice %arg7[%dma_start3A_56, %dma_start3A_57] : memref<128x128xi32, #tpu.memory_space<vmem>> -> memref<128x128xi32, #tpu.memory_space<vmem>>
        %dma_start3A_59 = arith.constant 0 : i32
        %dma_start3A_60 = tpu.memref_slice %arg3[%mul3A_43, %dma_start3A_59] : memref<2560x128xi32, #tpu.memory_space<hbm>> -> memref<128x128xi32, #tpu.memory_space<hbm>>
        tpu.enqueue_dma source(%dma_start3A_60 : memref<128x128xi32, #tpu.memory_space<hbm>>) target(%dma_start3A_58 : memref<128x128xi32, #tpu.memory_space<vmem>>) target_semaphore(%run_scoped3A : memref<!tpu.dma_semaphore, #tpu.memory_space<semaphore_mem>>)
        %dma_wait3A = arith.constant 0 : i32
        %dma_wait3A_61 = arith.constant 0 : i32
        %dma_wait3A_62 = tpu.memref_slice %arg7[%dma_wait3A, %dma_wait3A_61] : memref<128x128xi32, #tpu.memory_space<vmem>> -> memref<128x128xi32, #tpu.memory_space<vmem>>
        %dma_wait3A_63 = arith.constant 0 : i32
        %dma_wait3A_64 = tpu.memref_slice %arg3[%mul3A_43, %dma_wait3A_63] : memref<2560x128xi32, #tpu.memory_space<hbm>> -> memref<128x128xi32, #tpu.memory_space<hbm>>
        %dma_wait3A_65 = arith.constant 0 : i32
        %dma_wait3A_66 = arith.constant 0 : i32
        %dma_wait3A_67 = tpu.memref_slice %arg7[%dma_wait3A_65, %dma_wait3A_66] : memref<128x128xi32, #tpu.memory_space<vmem>> -> memref<128x128xi32, #tpu.memory_space<vmem>>
        %dma_wait3A_68 = arith.constant 0 : i32
        %dma_wait3A_69 = tpu.memref_slice %arg3[%mul3A_43, %dma_wait3A_68] : memref<2560x128xi32, #tpu.memory_space<hbm>> -> memref<128x128xi32, #tpu.memory_space<hbm>>
        tpu.wait_dma2 semaphore(%run_scoped3A : memref<!tpu.dma_semaphore, #tpu.memory_space<semaphore_mem>>) src(%dma_wait3A_69 : memref<128x128xi32, #tpu.memory_space<hbm>>) dst(%dma_wait3A_67 : memref<128x128xi32, #tpu.memory_space<vmem>>)
        tpu.yield
      }) : () -> ()
      "tpu.region"() ({
        %run_scoped3A = tpu.sem_alloc : memref<!tpu.dma_semaphore, #tpu.memory_space<semaphore_mem>>
        %dma_start3A = arith.constant 0 : i32
        %dma_start3A_52 = arith.constant 0 : i32
        %dma_start3A_53 = tpu.memref_slice %arg8[%dma_start3A, %dma_start3A_52] : memref<128x128xi32, #tpu.memory_space<vmem>> -> memref<128x128xi32, #tpu.memory_space<vmem>>
        %dma_start3A_54 = arith.constant 0 : i32
        %dma_start3A_55 = tpu.memref_slice %arg4[%mul3A_43, %dma_start3A_54] : memref<2560x128xi32, #tpu.memory_space<hbm>> -> memref<128x128xi32, #tpu.memory_space<hbm>>
        %dma_start3A_56 = arith.constant 0 : i32
        %dma_start3A_57 = arith.constant 0 : i32
        %dma_start3A_58 = tpu.memref_slice %arg8[%dma_start3A_56, %dma_start3A_57] : memref<128x128xi32, #tpu.memory_space<vmem>> -> memref<128x128xi32, #tpu.memory_space<vmem>>
        %dma_start3A_59 = arith.constant 0 : i32
        %dma_start3A_60 = tpu.memref_slice %arg4[%mul3A_43, %dma_start3A_59] : memref<2560x128xi32, #tpu.memory_space<hbm>> -> memref<128x128xi32, #tpu.memory_space<hbm>>
        tpu.enqueue_dma source(%dma_start3A_60 : memref<128x128xi32, #tpu.memory_space<hbm>>) target(%dma_start3A_58 : memref<128x128xi32, #tpu.memory_space<vmem>>) target_semaphore(%run_scoped3A : memref<!tpu.dma_semaphore, #tpu.memory_space<semaphore_mem>>)
        %dma_wait3A = arith.constant 0 : i32
        %dma_wait3A_61 = arith.constant 0 : i32
        %dma_wait3A_62 = tpu.memref_slice %arg8[%dma_wait3A, %dma_wait3A_61] : memref<128x128xi32, #tpu.memory_space<vmem>> -> memref<128x128xi32, #tpu.memory_space<vmem>>
        %dma_wait3A_63 = arith.constant 0 : i32
        %dma_wait3A_64 = tpu.memref_slice %arg4[%mul3A_43, %dma_wait3A_63] : memref<2560x128xi32, #tpu.memory_space<hbm>> -> memref<128x128xi32, #tpu.memory_space<hbm>>
        %dma_wait3A_65 = arith.constant 0 : i32
        %dma_wait3A_66 = arith.constant 0 : i32
        %dma_wait3A_67 = tpu.memref_slice %arg8[%dma_wait3A_65, %dma_wait3A_66] : memref<128x128xi32, #tpu.memory_space<vmem>> -> memref<128x128xi32, #tpu.memory_space<vmem>>
        %dma_wait3A_68 = arith.constant 0 : i32
        %dma_wait3A_69 = tpu.memref_slice %arg4[%mul3A_43, %dma_wait3A_68] : memref<2560x128xi32, #tpu.memory_space<hbm>> -> memref<128x128xi32, #tpu.memory_space<hbm>>
        tpu.wait_dma2 semaphore(%run_scoped3A : memref<!tpu.dma_semaphore, #tpu.memory_space<semaphore_mem>>) src(%dma_wait3A_69 : memref<128x128xi32, #tpu.memory_space<hbm>>) dst(%dma_wait3A_67 : memref<128x128xi32, #tpu.memory_space<vmem>>)
        tpu.yield
      }) : () -> ()
      %barrier3A_44 = arith.constant 0 : index
      tpu.barrier barrier_id(%barrier3A_44)
      %scan3A_45 = arith.constant 0 : i32
      %scan3A_46 = arith.constant 0 : i32
      %scan3A_47 = arith.constant 128 : i32
      %scan3A_48 = arith.addi %scan3A_46, %scan3A_47 : i32
      %scan3A_49 = arith.constant 1 : i32
      %scan3A_50 = scf.for %scan3A_52 = %scan3A_46 to %scan3A_48 step %scan3A_49 iter_args(%scan3A_53 = %scan3A_45) -> (i32)  : i32 {
        %dma_start3A = arith.constant 0 : i32
        %dma_start3A_54 = tpu.memref_slice %arg7[%scan3A_52, %dma_start3A] : memref<128x128xi32, #tpu.memory_space<vmem>> -> memref<1x128xi32, #tpu.memory_space<vmem>>
        %dma_start3A_55 = tpu.memref_squeeze %dma_start3A_54 : memref<1x128xi32, #tpu.memory_space<vmem>> -> memref<128xi32, #tpu.memory_space<vmem>>
        %dma_start3A_56 = arith.constant 0 : i32
        %dma_start3A_57 = arith.constant 0 : i32
        %dma_start3A_58 = tpu.memref_slice %arg2[%dma_start3A_56, %dma_start3A_57] : memref<10000x128xf32, #tpu.memory_space<hbm>> -> memref<10000x128xf32, #tpu.memory_space<hbm>>
        tpu.enqueue_indirect_dma source(%dma_start3A_58 : memref<10000x128xf32, #tpu.memory_space<hbm>>) target(%arg9 : memref<128x128xf32, #tpu.memory_space<vmem>>) offsets(%dma_start3A_55 : memref<128xi32, #tpu.memory_space<vmem>>) semaphore(%arg10 : memref<!tpu.dma_semaphore, #tpu.memory_space<semaphore_mem>>)
        %dma_wait3A = arith.constant 0 : i32
        %dma_wait3A_59 = tpu.memref_slice %arg7[%scan3A_52, %dma_wait3A] : memref<128x128xi32, #tpu.memory_space<vmem>> -> memref<1x128xi32, #tpu.memory_space<vmem>>
        %dma_wait3A_60 = tpu.memref_squeeze %dma_wait3A_59 : memref<1x128xi32, #tpu.memory_space<vmem>> -> memref<128xi32, #tpu.memory_space<vmem>>
        %dma_wait3A_61 = arith.constant 0 : i32
        %dma_wait3A_62 = arith.constant 0 : i32
        %dma_wait3A_63 = tpu.memref_slice %arg2[%dma_wait3A_61, %dma_wait3A_62] : memref<10000x128xf32, #tpu.memory_space<hbm>> -> memref<10000x128xf32, #tpu.memory_space<hbm>>
        tpu.wait_indirect_dma semaphore(%arg10 : memref<!tpu.dma_semaphore, #tpu.memory_space<semaphore_mem>>) src(%dma_wait3A_63 : memref<10000x128xf32, #tpu.memory_space<hbm>>) dst(%arg9 : memref<128x128xf32, #tpu.memory_space<vmem>>)
        "tpu.region"() ({
          %run_scoped3A = tpu.sem_alloc : memref<!tpu.dma_semaphore, #tpu.memory_space<semaphore_mem>>
          %dma_start3A_65 = arith.constant 0 : i32
          %dma_start3A_66 = tpu.memref_slice %arg8[%scan3A_52, %dma_start3A_65] : memref<128x128xi32, #tpu.memory_space<vmem>> -> memref<1x128xi32, #tpu.memory_space<vmem>>
          %dma_start3A_67 = tpu.memref_squeeze %dma_start3A_66 : memref<1x128xi32, #tpu.memory_space<vmem>> -> memref<128xi32, #tpu.memory_space<vmem>>
          %dma_start3A_68 = arith.constant 0 : i32
          %dma_start3A_69 = arith.constant 0 : i32
          %dma_start3A_70 = tpu.memref_slice %arg11[%dma_start3A_68, %dma_start3A_69] : memref<10112x128xf32, #tpu.memory_space<vmem_shared>> -> memref<10112x128xf32, #tpu.memory_space<vmem_shared>>
          tpu.enqueue_indirect_dma source(%arg9 : memref<128x128xf32, #tpu.memory_space<vmem>>) target(%dma_start3A_70 : memref<10112x128xf32, #tpu.memory_space<vmem_shared>>) offsets(%dma_start3A_67 : memref<128xi32, #tpu.memory_space<vmem>>) semaphore(%run_scoped3A : memref<!tpu.dma_semaphore, #tpu.memory_space<semaphore_mem>>) {add = true}
          %dma_wait3A_71 = arith.constant 0 : i32
          %dma_wait3A_72 = tpu.memref_slice %arg8[%scan3A_52, %dma_wait3A_71] : memref<128x128xi32, #tpu.memory_space<vmem>> -> memref<1x128xi32, #tpu.memory_space<vmem>>
          %dma_wait3A_73 = tpu.memref_squeeze %dma_wait3A_72 : memref<1x128xi32, #tpu.memory_space<vmem>> -> memref<128xi32, #tpu.memory_space<vmem>>
          %dma_wait3A_74 = arith.constant 0 : i32
          %dma_wait3A_75 = arith.constant 0 : i32
          %dma_wait3A_76 = tpu.memref_slice %arg11[%dma_wait3A_74, %dma_wait3A_75] : memref<10112x128xf32, #tpu.memory_space<vmem_shared>> -> memref<10112x128xf32, #tpu.memory_space<vmem_shared>>
          tpu.wait_indirect_dma semaphore(%run_scoped3A : memref<!tpu.dma_semaphore, #tpu.memory_space<semaphore_mem>>) src(%arg9 : memref<128x128xf32, #tpu.memory_space<vmem>>) dst(%dma_wait3A_76 : memref<10112x128xf32, #tpu.memory_space<vmem_shared>>)
          tpu.yield
        }) : () -> ()
        %scan3A_64 = arith.constant 0 : i32
        scf.yield %scan3A_64 : i32
      }
      %scan3A_51 = arith.constant 128 : i32
    } else {
    }
    %eq3A_27 = arith.constant 1 : i32
    %eq3A_28 = arith.cmpi eq, %arg0, %eq3A_27 : i32
    %convert_element_type3A_29 = arith.extui %eq3A_28 : i1 to i32
    %cond3A_30 = arith.constant 0 : i32
    %cond3A_31 = arith.cmpi ne, %convert_element_type3A_29, %cond3A_30 : i32
    scf.if %cond3A_31 {
      %mul3A_42 = arith.constant 32 : i32
      %mul3A_43 = arith.muli %arg1, %mul3A_42 : i32
      %add3A_44 = arith.constant 2048 : i32
      %add3A_45 = arith.addi %add3A_44, %mul3A_43 : i32
      "tpu.region"() ({
        %run_scoped3A = tpu.sem_alloc : memref<!tpu.dma_semaphore, #tpu.memory_space<semaphore_mem>>
        %dma_start3A = arith.constant 0 : i32
        %dma_start3A_54 = arith.constant 0 : i32
        %dma_start3A_55 = tpu.memref_slice %arg7[%dma_start3A, %dma_start3A_54] : memref<128x128xi32, #tpu.memory_space<vmem>> -> memref<32x128xi32, #tpu.memory_space<vmem>>
        %dma_start3A_56 = arith.constant 0 : i32
        %dma_start3A_57 = tpu.memref_slice %arg3[%add3A_45, %dma_start3A_56] : memref<2560x128xi32, #tpu.memory_space<hbm>> -> memref<32x128xi32, #tpu.memory_space<hbm>>
        %dma_start3A_58 = arith.constant 0 : i32
        %dma_start3A_59 = arith.constant 0 : i32
        %dma_start3A_60 = tpu.memref_slice %arg7[%dma_start3A_58, %dma_start3A_59] : memref<128x128xi32, #tpu.memory_space<vmem>> -> memref<32x128xi32, #tpu.memory_space<vmem>>
        %dma_start3A_61 = arith.constant 0 : i32
        %dma_start3A_62 = tpu.memref_slice %arg3[%add3A_45, %dma_start3A_61] : memref<2560x128xi32, #tpu.memory_space<hbm>> -> memref<32x128xi32, #tpu.memory_space<hbm>>
        tpu.enqueue_dma source(%dma_start3A_62 : memref<32x128xi32, #tpu.memory_space<hbm>>) target(%dma_start3A_60 : memref<32x128xi32, #tpu.memory_space<vmem>>) target_semaphore(%run_scoped3A : memref<!tpu.dma_semaphore, #tpu.memory_space<semaphore_mem>>)
        %dma_wait3A = arith.constant 0 : i32
        %dma_wait3A_63 = arith.constant 0 : i32
        %dma_wait3A_64 = tpu.memref_slice %arg7[%dma_wait3A, %dma_wait3A_63] : memref<128x128xi32, #tpu.memory_space<vmem>> -> memref<32x128xi32, #tpu.memory_space<vmem>>
        %dma_wait3A_65 = arith.constant 0 : i32
        %dma_wait3A_66 = tpu.memref_slice %arg3[%add3A_45, %dma_wait3A_65] : memref<2560x128xi32, #tpu.memory_space<hbm>> -> memref<32x128xi32, #tpu.memory_space<hbm>>
        %dma_wait3A_67 = arith.constant 0 : i32
        %dma_wait3A_68 = arith.constant 0 : i32
        %dma_wait3A_69 = tpu.memref_slice %arg7[%dma_wait3A_67, %dma_wait3A_68] : memref<128x128xi32, #tpu.memory_space<vmem>> -> memref<32x128xi32, #tpu.memory_space<vmem>>
        %dma_wait3A_70 = arith.constant 0 : i32
        %dma_wait3A_71 = tpu.memref_slice %arg3[%add3A_45, %dma_wait3A_70] : memref<2560x128xi32, #tpu.memory_space<hbm>> -> memref<32x128xi32, #tpu.memory_space<hbm>>
        tpu.wait_dma2 semaphore(%run_scoped3A : memref<!tpu.dma_semaphore, #tpu.memory_space<semaphore_mem>>) src(%dma_wait3A_71 : memref<32x128xi32, #tpu.memory_space<hbm>>) dst(%dma_wait3A_69 : memref<32x128xi32, #tpu.memory_space<vmem>>)
        tpu.yield
      }) : () -> ()
      "tpu.region"() ({
        %run_scoped3A = tpu.sem_alloc : memref<!tpu.dma_semaphore, #tpu.memory_space<semaphore_mem>>
        %dma_start3A = arith.constant 0 : i32
        %dma_start3A_54 = arith.constant 0 : i32
        %dma_start3A_55 = tpu.memref_slice %arg8[%dma_start3A, %dma_start3A_54] : memref<128x128xi32, #tpu.memory_space<vmem>> -> memref<32x128xi32, #tpu.memory_space<vmem>>
        %dma_start3A_56 = arith.constant 0 : i32
        %dma_start3A_57 = tpu.memref_slice %arg4[%add3A_45, %dma_start3A_56] : memref<2560x128xi32, #tpu.memory_space<hbm>> -> memref<32x128xi32, #tpu.memory_space<hbm>>
        %dma_start3A_58 = arith.constant 0 : i32
        %dma_start3A_59 = arith.constant 0 : i32
        %dma_start3A_60 = tpu.memref_slice %arg8[%dma_start3A_58, %dma_start3A_59] : memref<128x128xi32, #tpu.memory_space<vmem>> -> memref<32x128xi32, #tpu.memory_space<vmem>>
        %dma_start3A_61 = arith.constant 0 : i32
        %dma_start3A_62 = tpu.memref_slice %arg4[%add3A_45, %dma_start3A_61] : memref<2560x128xi32, #tpu.memory_space<hbm>> -> memref<32x128xi32, #tpu.memory_space<hbm>>
        tpu.enqueue_dma source(%dma_start3A_62 : memref<32x128xi32, #tpu.memory_space<hbm>>) target(%dma_start3A_60 : memref<32x128xi32, #tpu.memory_space<vmem>>) target_semaphore(%run_scoped3A : memref<!tpu.dma_semaphore, #tpu.memory_space<semaphore_mem>>)
        %dma_wait3A = arith.constant 0 : i32
        %dma_wait3A_63 = arith.constant 0 : i32
        %dma_wait3A_64 = tpu.memref_slice %arg8[%dma_wait3A, %dma_wait3A_63] : memref<128x128xi32, #tpu.memory_space<vmem>> -> memref<32x128xi32, #tpu.memory_space<vmem>>
        %dma_wait3A_65 = arith.constant 0 : i32
        %dma_wait3A_66 = tpu.memref_slice %arg4[%add3A_45, %dma_wait3A_65] : memref<2560x128xi32, #tpu.memory_space<hbm>> -> memref<32x128xi32, #tpu.memory_space<hbm>>
        %dma_wait3A_67 = arith.constant 0 : i32
        %dma_wait3A_68 = arith.constant 0 : i32
        %dma_wait3A_69 = tpu.memref_slice %arg8[%dma_wait3A_67, %dma_wait3A_68] : memref<128x128xi32, #tpu.memory_space<vmem>> -> memref<32x128xi32, #tpu.memory_space<vmem>>
        %dma_wait3A_70 = arith.constant 0 : i32
        %dma_wait3A_71 = tpu.memref_slice %arg4[%add3A_45, %dma_wait3A_70] : memref<2560x128xi32, #tpu.memory_space<hbm>> -> memref<32x128xi32, #tpu.memory_space<hbm>>
        tpu.wait_dma2 semaphore(%run_scoped3A : memref<!tpu.dma_semaphore, #tpu.memory_space<semaphore_mem>>) src(%dma_wait3A_71 : memref<32x128xi32, #tpu.memory_space<hbm>>) dst(%dma_wait3A_69 : memref<32x128xi32, #tpu.memory_space<vmem>>)
        tpu.yield
      }) : () -> ()
      %barrier3A_46 = arith.constant 0 : index
      tpu.barrier barrier_id(%barrier3A_46)
      %scan3A_47 = arith.constant 0 : i32
      %scan3A_48 = arith.constant 0 : i32
      %scan3A_49 = arith.constant 32 : i32
      %scan3A_50 = arith.addi %scan3A_48, %scan3A_49 : i32
      %scan3A_51 = arith.constant 1 : i32
      %scan3A_52 = scf.for %scan3A_54 = %scan3A_48 to %scan3A_50 step %scan3A_51 iter_args(%scan3A_55 = %scan3A_47) -> (i32)  : i32 {
        %dma_start3A = arith.constant 0 : i32
        %dma_start3A_56 = tpu.memref_slice %arg7[%scan3A_54, %dma_start3A] : memref<128x128xi32, #tpu.memory_space<vmem>> -> memref<1x128xi32, #tpu.memory_space<vmem>>
        %dma_start3A_57 = tpu.memref_squeeze %dma_start3A_56 : memref<1x128xi32, #tpu.memory_space<vmem>> -> memref<128xi32, #tpu.memory_space<vmem>>
        %dma_start3A_58 = arith.constant 0 : i32
        %dma_start3A_59 = arith.constant 0 : i32
        %dma_start3A_60 = tpu.memref_slice %arg2[%dma_start3A_58, %dma_start3A_59] : memref<10000x128xf32, #tpu.memory_space<hbm>> -> memref<10000x128xf32, #tpu.memory_space<hbm>>
        tpu.enqueue_indirect_dma source(%dma_start3A_60 : memref<10000x128xf32, #tpu.memory_space<hbm>>) target(%arg9 : memref<128x128xf32, #tpu.memory_space<vmem>>) offsets(%dma_start3A_57 : memref<128xi32, #tpu.memory_space<vmem>>) semaphore(%arg10 : memref<!tpu.dma_semaphore, #tpu.memory_space<semaphore_mem>>)
        %dma_wait3A = arith.constant 0 : i32
        %dma_wait3A_61 = tpu.memref_slice %arg7[%scan3A_54, %dma_wait3A] : memref<128x128xi32, #tpu.memory_space<vmem>> -> memref<1x128xi32, #tpu.memory_space<vmem>>
        %dma_wait3A_62 = tpu.memref_squeeze %dma_wait3A_61 : memref<1x128xi32, #tpu.memory_space<vmem>> -> memref<128xi32, #tpu.memory_space<vmem>>
        %dma_wait3A_63 = arith.constant 0 : i32
        %dma_wait3A_64 = arith.constant 0 : i32
        %dma_wait3A_65 = tpu.memref_slice %arg2[%dma_wait3A_63, %dma_wait3A_64] : memref<10000x128xf32, #tpu.memory_space<hbm>> -> memref<10000x128xf32, #tpu.memory_space<hbm>>
        tpu.wait_indirect_dma semaphore(%arg10 : memref<!tpu.dma_semaphore, #tpu.memory_space<semaphore_mem>>) src(%dma_wait3A_65 : memref<10000x128xf32, #tpu.memory_space<hbm>>) dst(%arg9 : memref<128x128xf32, #tpu.memory_space<vmem>>)
        "tpu.region"() ({
          %run_scoped3A = tpu.sem_alloc : memref<!tpu.dma_semaphore, #tpu.memory_space<semaphore_mem>>
          %dma_start3A_67 = arith.constant 0 : i32
          %dma_start3A_68 = tpu.memref_slice %arg8[%scan3A_54, %dma_start3A_67] : memref<128x128xi32, #tpu.memory_space<vmem>> -> memref<1x128xi32, #tpu.memory_space<vmem>>
          %dma_start3A_69 = tpu.memref_squeeze %dma_start3A_68 : memref<1x128xi32, #tpu.memory_space<vmem>> -> memref<128xi32, #tpu.memory_space<vmem>>
          %dma_start3A_70 = arith.constant 0 : i32
          %dma_start3A_71 = arith.constant 0 : i32
          %dma_start3A_72 = tpu.memref_slice %arg11[%dma_start3A_70, %dma_start3A_71] : memref<10112x128xf32, #tpu.memory_space<vmem_shared>> -> memref<10112x128xf32, #tpu.memory_space<vmem_shared>>
          tpu.enqueue_indirect_dma source(%arg9 : memref<128x128xf32, #tpu.memory_space<vmem>>) target(%dma_start3A_72 : memref<10112x128xf32, #tpu.memory_space<vmem_shared>>) offsets(%dma_start3A_69 : memref<128xi32, #tpu.memory_space<vmem>>) semaphore(%run_scoped3A : memref<!tpu.dma_semaphore, #tpu.memory_space<semaphore_mem>>) {add = true}
          %dma_wait3A_73 = arith.constant 0 : i32
          %dma_wait3A_74 = tpu.memref_slice %arg8[%scan3A_54, %dma_wait3A_73] : memref<128x128xi32, #tpu.memory_space<vmem>> -> memref<1x128xi32, #tpu.memory_space<vmem>>
          %dma_wait3A_75 = tpu.memref_squeeze %dma_wait3A_74 : memref<1x128xi32, #tpu.memory_space<vmem>> -> memref<128xi32, #tpu.memory_space<vmem>>
          %dma_wait3A_76 = arith.constant 0 : i32
          %dma_wait3A_77 = arith.constant 0 : i32
          %dma_wait3A_78 = tpu.memref_slice %arg11[%dma_wait3A_76, %dma_wait3A_77] : memref<10112x128xf32, #tpu.memory_space<vmem_shared>> -> memref<10112x128xf32, #tpu.memory_space<vmem_shared>>
          tpu.wait_indirect_dma semaphore(%run_scoped3A : memref<!tpu.dma_semaphore, #tpu.memory_space<semaphore_mem>>) src(%arg9 : memref<128x128xf32, #tpu.memory_space<vmem>>) dst(%dma_wait3A_78 : memref<10112x128xf32, #tpu.memory_space<vmem_shared>>)
          tpu.yield
        }) : () -> ()
        %scan3A_66 = arith.constant 0 : i32
        scf.yield %scan3A_66 : i32
      }
      %scan3A_53 = arith.constant 32 : i32
    } else {
    }
    %barrier3A = arith.constant 0 : index
    tpu.barrier barrier_id(%barrier3A)
    %eq3A_32 = arith.constant 0 : i32
    %eq3A_33 = arith.cmpi eq, %arg0, %eq3A_32 : i32
    %convert_element_type3A_34 = arith.extui %eq3A_33 : i1 to i32
    %cond3A_35 = arith.constant 0 : i32
    %cond3A_36 = arith.cmpi ne, %convert_element_type3A_34, %cond3A_35 : i32
    scf.if %cond3A_36 {
      %mul3A_42 = arith.constant 632 : i32
      %mul3A_43 = arith.muli %arg1, %mul3A_42 : i32
      %mul3A_44 = arith.constant 632 : i32
      %mul3A_45 = arith.muli %arg1, %mul3A_44 : i32
      "tpu.region"() ({
        %run_scoped3A = tpu.sem_alloc : memref<!tpu.dma_semaphore, #tpu.memory_space<semaphore_mem>>
        %dma_start3A = arith.constant 0 : i32
        %dma_start3A_46 = tpu.memref_slice %arg5[%mul3A_45, %dma_start3A] : memref<10112x128xf32, #tpu.memory_space<hbm>> -> memref<632x128xf32, #tpu.memory_space<hbm>>
        %dma_start3A_47 = arith.constant 0 : i32
        %dma_start3A_48 = tpu.memref_slice %arg11[%mul3A_43, %dma_start3A_47] : memref<10112x128xf32, #tpu.memory_space<vmem_shared>> -> memref<632x128xf32, #tpu.memory_space<vmem_shared>>
        tpu.enqueue_dma source(%dma_start3A_48 : memref<632x128xf32, #tpu.memory_space<vmem_shared>>) target(%dma_start3A_46 : memref<632x128xf32, #tpu.memory_space<hbm>>) target_semaphore(%run_scoped3A : memref<!tpu.dma_semaphore, #tpu.memory_space<semaphore_mem>>)
        %dma_wait3A = arith.constant 0 : i32
        %dma_wait3A_49 = tpu.memref_slice %arg5[%mul3A_45, %dma_wait3A] : memref<10112x128xf32, #tpu.memory_space<hbm>> -> memref<632x128xf32, #tpu.memory_space<hbm>>
        %dma_wait3A_50 = arith.constant 0 : i32
        %dma_wait3A_51 = tpu.memref_slice %arg11[%mul3A_43, %dma_wait3A_50] : memref<10112x128xf32, #tpu.memory_space<vmem_shared>> -> memref<632x128xf32, #tpu.memory_space<vmem_shared>>
        tpu.wait_dma2 semaphore(%run_scoped3A : memref<!tpu.dma_semaphore, #tpu.memory_space<semaphore_mem>>) src(%dma_wait3A_51 : memref<632x128xf32, #tpu.memory_space<vmem_shared>>) dst(%dma_wait3A_49 : memref<632x128xf32, #tpu.memory_space<hbm>>)
        tpu.yield
      }) : () -> ()
    } else {
    }
    %eq3A_37 = arith.constant 1 : i32
    %eq3A_38 = arith.cmpi eq, %arg0, %eq3A_37 : i32
    %convert_element_type3A_39 = arith.extui %eq3A_38 : i1 to i32
    %cond3A_40 = arith.constant 0 : i32
    %cond3A_41 = arith.cmpi ne, %convert_element_type3A_39, %cond3A_40 : i32
    scf.if %cond3A_41 {
      %mul3A_42 = arith.constant 632 : i32
      %mul3A_43 = arith.muli %arg1, %mul3A_42 : i32
      %mul3A_44 = arith.constant 632 : i32
      %mul3A_45 = arith.muli %arg1, %mul3A_44 : i32
      "tpu.region"() ({
        %run_scoped3A = tpu.sem_alloc : memref<!tpu.dma_semaphore, #tpu.memory_space<semaphore_mem>>
        %dma_start3A = arith.constant 0 : i32
        %dma_start3A_46 = tpu.memref_slice %arg6[%mul3A_45, %dma_start3A] : memref<10112x128xf32, #tpu.memory_space<hbm>> -> memref<632x128xf32, #tpu.memory_space<hbm>>
        %dma_start3A_47 = arith.constant 0 : i32
        %dma_start3A_48 = tpu.memref_slice %arg11[%mul3A_43, %dma_start3A_47] : memref<10112x128xf32, #tpu.memory_space<vmem_shared>> -> memref<632x128xf32, #tpu.memory_space<vmem_shared>>
        tpu.enqueue_dma source(%dma_start3A_48 : memref<632x128xf32, #tpu.memory_space<vmem_shared>>) target(%dma_start3A_46 : memref<632x128xf32, #tpu.memory_space<hbm>>) target_semaphore(%run_scoped3A : memref<!tpu.dma_semaphore, #tpu.memory_space<semaphore_mem>>)
        %dma_wait3A = arith.constant 0 : i32
        %dma_wait3A_49 = tpu.memref_slice %arg6[%mul3A_45, %dma_wait3A] : memref<10112x128xf32, #tpu.memory_space<hbm>> -> memref<632x128xf32, #tpu.memory_space<hbm>>
        %dma_wait3A_50 = arith.constant 0 : i32
        %dma_wait3A_51 = tpu.memref_slice %arg11[%mul3A_43, %dma_wait3A_50] : memref<10112x128xf32, #tpu.memory_space<vmem_shared>> -> memref<632x128xf32, #tpu.memory_space<vmem_shared>>
        tpu.wait_dma2 semaphore(%run_scoped3A : memref<!tpu.dma_semaphore, #tpu.memory_space<semaphore_mem>>) src(%dma_wait3A_51 : memref<632x128xf32, #tpu.memory_space<vmem_shared>>) dst(%dma_wait3A_49 : memref<632x128xf32, #tpu.memory_space<hbm>>)
        tpu.yield
      }) : () -> ()
    } else {
    }
    return
  }
}

#map = affine_map<(d0, d1) -> (0, 0, 0)>
#map1 = affine_map<(d0, d1) -> (0, 0)>
module attributes {stable_mosaic.version = 14 : i64} {
  func.func @_sc_degree(%arg0: i32, %arg1: i32, %arg2: memref<32x80x128xi32, #tpu.memory_space<hbm>>, %arg3: memref<10112x16xf32, #tpu.memory_space<hbm>>, %arg4: memref<10112x16xf32, #tpu.memory_space<hbm>>, %arg5: memref<80x128xi32, #tpu.memory_space<vmem>>, %arg6: memref<128x16xf32, #tpu.memory_space<vmem>>, %arg7: memref<632x16xf32, #tpu.memory_space<vmem>>, %arg8: memref<10112x16xf32, #tpu.memory_space<vmem_shared>>) attributes {dimension_semantics = [#tpu.dimension_semantics<core_parallel>, #tpu.dimension_semantics<subcore_parallel>], iteration_bounds = array<i64: 2, 16>, scalar_prefetch = 0 : i64, scratch_operands = 4 : i64, tpu.core_type = #tpu.core_type<sc_vector_subcore>, window_params = [{transform_indices = #map}, {transform_indices = #map1}, {transform_indices = #map1}]} {
    %mul3A = arith.constant 2 : i32
    %mul3A_0 = arith.muli %arg1, %mul3A : i32
    %add3A = arith.addi %mul3A_0, %arg0 : i32
    %broadcast_in_dim3A = arith.constant 1.000000e+00 : f32
    %broadcast_in_dim3A_1 = vector.broadcast %broadcast_in_dim3A : f32 to vector<16xf32>
    %broadcast_in_dim3A_2 = arith.constant 0.000000e+00 : f32
    %broadcast_in_dim3A_3 = vector.broadcast %broadcast_in_dim3A_2 : f32 to vector<16xf32>
    %scan3A = arith.constant 0 : i32
    %scan3A_4 = arith.constant 0 : i32
    %scan3A_5 = arith.constant 128 : i32
    %scan3A_6 = arith.addi %scan3A_4, %scan3A_5 : i32
    %scan3A_7 = arith.constant 1 : i32
    %scan3A_8 = scf.for %scan3A_34 = %scan3A_4 to %scan3A_6 step %scan3A_7 iter_args(%scan3A_35 = %scan3A) -> (i32)  : i32 {
      %swap3A = arith.index_cast %scan3A_34 : i32 to index
      %swap3A_36 = arith.constant 0 : index
      %swap3A_37 = tpu.vector_load %arg6[%swap3A, %swap3A_36] {strides = array<i32>} : memref<128x16xf32, #tpu.memory_space<vmem>>, vector<1x16xf32>,
      %swap3A_38 = vector.shape_cast %swap3A_37 : vector<1x16xf32> to vector<16xf32>
      %swap3A_39 = vector.shape_cast %broadcast_in_dim3A_1 : vector<16xf32> to vector<1x16xf32>
      tpu.vector_store %arg6[%swap3A, %swap3A_36], %swap3A_39 {strides = array<i32>} : memref<128x16xf32, #tpu.memory_space<vmem>>, vector<1x16xf32>,
      %scan3A_40 = arith.constant 0 : i32
      scf.yield %scan3A_40 : i32
    }
    %scan3A_9 = arith.constant 128 : i32
    %scan3A_10 = arith.constant 0 : i32
    %scan3A_11 = arith.constant 0 : i32
    %scan3A_12 = arith.constant 632 : i32
    %scan3A_13 = arith.addi %scan3A_11, %scan3A_12 : i32
    %scan3A_14 = arith.constant 1 : i32
    %scan3A_15 = scf.for %scan3A_34 = %scan3A_11 to %scan3A_13 step %scan3A_14 iter_args(%scan3A_35 = %scan3A_10) -> (i32)  : i32 {
      %swap3A = arith.index_cast %scan3A_34 : i32 to index
      %swap3A_36 = arith.constant 0 : index
      %swap3A_37 = tpu.vector_load %arg7[%swap3A, %swap3A_36] {strides = array<i32>} : memref<632x16xf32, #tpu.memory_space<vmem>>, vector<1x16xf32>,
      %swap3A_38 = vector.shape_cast %swap3A_37 : vector<1x16xf32> to vector<16xf32>
      %swap3A_39 = vector.shape_cast %broadcast_in_dim3A_3 : vector<16xf32> to vector<1x16xf32>
      tpu.vector_store %arg7[%swap3A, %swap3A_36], %swap3A_39 {strides = array<i32>} : memref<632x16xf32, #tpu.memory_space<vmem>>, vector<1x16xf32>,
      %scan3A_40 = arith.constant 0 : i32
      scf.yield %scan3A_40 : i32
    }
    %scan3A_16 = arith.constant 632 : i32
    %mul3A_17 = arith.constant 632 : i32
    %mul3A_18 = arith.muli %arg1, %mul3A_17 : i32
    "tpu.region"() ({
      %run_scoped3A = tpu.sem_alloc : memref<!tpu.dma_semaphore, #tpu.memory_space<semaphore_mem>>
      %dma_start3A = arith.constant 0 : i32
      %dma_start3A_34 = tpu.memref_slice %arg8[%mul3A_18, %dma_start3A] : memref<10112x16xf32, #tpu.memory_space<vmem_shared>> -> memref<632x16xf32, #tpu.memory_space<vmem_shared>>
      %dma_start3A_35 = arith.constant 0 : i32
      %dma_start3A_36 = tpu.memref_slice %arg8[%mul3A_18, %dma_start3A_35] : memref<10112x16xf32, #tpu.memory_space<vmem_shared>> -> memref<632x16xf32, #tpu.memory_space<vmem_shared>>
      tpu.enqueue_dma source(%arg7 : memref<632x16xf32, #tpu.memory_space<vmem>>) target(%dma_start3A_36 : memref<632x16xf32, #tpu.memory_space<vmem_shared>>) target_semaphore(%run_scoped3A : memref<!tpu.dma_semaphore, #tpu.memory_space<semaphore_mem>>)
      %dma_wait3A = arith.constant 0 : i32
      %dma_wait3A_37 = tpu.memref_slice %arg8[%mul3A_18, %dma_wait3A] : memref<10112x16xf32, #tpu.memory_space<vmem_shared>> -> memref<632x16xf32, #tpu.memory_space<vmem_shared>>
      %dma_wait3A_38 = arith.constant 0 : i32
      %dma_wait3A_39 = tpu.memref_slice %arg8[%mul3A_18, %dma_wait3A_38] : memref<10112x16xf32, #tpu.memory_space<vmem_shared>> -> memref<632x16xf32, #tpu.memory_space<vmem_shared>>
      tpu.wait_dma2 semaphore(%run_scoped3A : memref<!tpu.dma_semaphore, #tpu.memory_space<semaphore_mem>>) src(%arg7 : memref<632x16xf32, #tpu.memory_space<vmem>>) dst(%dma_wait3A_39 : memref<632x16xf32, #tpu.memory_space<vmem_shared>>)
      tpu.yield
    }) : () -> ()
    "tpu.region"() ({
      %run_scoped3A = tpu.sem_alloc : memref<!tpu.dma_semaphore, #tpu.memory_space<semaphore_mem>>
      %dma_start3A = arith.constant 0 : i32
      %dma_start3A_34 = arith.constant 0 : i32
      %dma_start3A_35 = tpu.memref_slice %arg2[%add3A, %dma_start3A, %dma_start3A_34] : memref<32x80x128xi32, #tpu.memory_space<hbm>> -> memref<1x80x128xi32, #tpu.memory_space<hbm>>
      %dma_start3A_36 = tpu.memref_squeeze %dma_start3A_35 : memref<1x80x128xi32, #tpu.memory_space<hbm>> -> memref<80x128xi32, #tpu.memory_space<hbm>>
      %dma_start3A_37 = arith.constant 0 : i32
      %dma_start3A_38 = arith.constant 0 : i32
      %dma_start3A_39 = tpu.memref_slice %arg2[%add3A, %dma_start3A_37, %dma_start3A_38] : memref<32x80x128xi32, #tpu.memory_space<hbm>> -> memref<1x80x128xi32, #tpu.memory_space<hbm>>
      %dma_start3A_40 = tpu.memref_squeeze %dma_start3A_39 : memref<1x80x128xi32, #tpu.memory_space<hbm>> -> memref<80x128xi32, #tpu.memory_space<hbm>>
      tpu.enqueue_dma source(%dma_start3A_40 : memref<80x128xi32, #tpu.memory_space<hbm>>) target(%arg5 : memref<80x128xi32, #tpu.memory_space<vmem>>) target_semaphore(%run_scoped3A : memref<!tpu.dma_semaphore, #tpu.memory_space<semaphore_mem>>)
      %dma_wait3A = arith.constant 0 : i32
      %dma_wait3A_41 = arith.constant 0 : i32
      %dma_wait3A_42 = tpu.memref_slice %arg2[%add3A, %dma_wait3A, %dma_wait3A_41] : memref<32x80x128xi32, #tpu.memory_space<hbm>> -> memref<1x80x128xi32, #tpu.memory_space<hbm>>
      %dma_wait3A_43 = tpu.memref_squeeze %dma_wait3A_42 : memref<1x80x128xi32, #tpu.memory_space<hbm>> -> memref<80x128xi32, #tpu.memory_space<hbm>>
      %dma_wait3A_44 = arith.constant 0 : i32
      %dma_wait3A_45 = arith.constant 0 : i32
      %dma_wait3A_46 = tpu.memref_slice %arg2[%add3A, %dma_wait3A_44, %dma_wait3A_45] : memref<32x80x128xi32, #tpu.memory_space<hbm>> -> memref<1x80x128xi32, #tpu.memory_space<hbm>>
      %dma_wait3A_47 = tpu.memref_squeeze %dma_wait3A_46 : memref<1x80x128xi32, #tpu.memory_space<hbm>> -> memref<80x128xi32, #tpu.memory_space<hbm>>
      tpu.wait_dma2 semaphore(%run_scoped3A : memref<!tpu.dma_semaphore, #tpu.memory_space<semaphore_mem>>) src(%dma_wait3A_47 : memref<80x128xi32, #tpu.memory_space<hbm>>) dst(%arg5 : memref<80x128xi32, #tpu.memory_space<vmem>>)
      tpu.yield
    }) : () -> ()
    %barrier3A = arith.constant 0 : index
    tpu.barrier barrier_id(%barrier3A)
    %scan3A_19 = arith.constant 0 : i32
    %scan3A_20 = arith.constant 0 : i32
    %scan3A_21 = arith.constant 80 : i32
    %scan3A_22 = arith.addi %scan3A_20, %scan3A_21 : i32
    %scan3A_23 = arith.constant 1 : i32
    %scan3A_24 = scf.for %scan3A_34 = %scan3A_20 to %scan3A_22 step %scan3A_23 iter_args(%scan3A_35 = %scan3A_19) -> (i32)  : i32 {
      "tpu.region"() ({
        %run_scoped3A = tpu.sem_alloc : memref<!tpu.dma_semaphore, #tpu.memory_space<semaphore_mem>>
        %dma_start3A = arith.constant 0 : i32
        %dma_start3A_37 = tpu.memref_slice %arg5[%scan3A_34, %dma_start3A] : memref<80x128xi32, #tpu.memory_space<vmem>> -> memref<1x128xi32, #tpu.memory_space<vmem>>
        %dma_start3A_38 = tpu.memref_squeeze %dma_start3A_37 : memref<1x128xi32, #tpu.memory_space<vmem>> -> memref<128xi32, #tpu.memory_space<vmem>>
        %dma_start3A_39 = arith.constant 0 : i32
        %dma_start3A_40 = arith.constant 0 : i32
        %dma_start3A_41 = tpu.memref_slice %arg8[%dma_start3A_39, %dma_start3A_40] : memref<10112x16xf32, #tpu.memory_space<vmem_shared>> -> memref<10112x16xf32, #tpu.memory_space<vmem_shared>>
        tpu.enqueue_indirect_dma source(%arg6 : memref<128x16xf32, #tpu.memory_space<vmem>>) target(%dma_start3A_41 : memref<10112x16xf32, #tpu.memory_space<vmem_shared>>) offsets(%dma_start3A_38 : memref<128xi32, #tpu.memory_space<vmem>>) semaphore(%run_scoped3A : memref<!tpu.dma_semaphore, #tpu.memory_space<semaphore_mem>>) {add = true}
        %dma_wait3A = arith.constant 0 : i32
        %dma_wait3A_42 = tpu.memref_slice %arg5[%scan3A_34, %dma_wait3A] : memref<80x128xi32, #tpu.memory_space<vmem>> -> memref<1x128xi32, #tpu.memory_space<vmem>>
        %dma_wait3A_43 = tpu.memref_squeeze %dma_wait3A_42 : memref<1x128xi32, #tpu.memory_space<vmem>> -> memref<128xi32, #tpu.memory_space<vmem>>
        %dma_wait3A_44 = arith.constant 0 : i32
        %dma_wait3A_45 = arith.constant 0 : i32
        %dma_wait3A_46 = tpu.memref_slice %arg8[%dma_wait3A_44, %dma_wait3A_45] : memref<10112x16xf32, #tpu.memory_space<vmem_shared>> -> memref<10112x16xf32, #tpu.memory_space<vmem_shared>>
        tpu.wait_indirect_dma semaphore(%run_scoped3A : memref<!tpu.dma_semaphore, #tpu.memory_space<semaphore_mem>>) src(%arg6 : memref<128x16xf32, #tpu.memory_space<vmem>>) dst(%dma_wait3A_46 : memref<10112x16xf32, #tpu.memory_space<vmem_shared>>)
        tpu.yield
      }) : () -> ()
      %scan3A_36 = arith.constant 0 : i32
      scf.yield %scan3A_36 : i32
    }
    %scan3A_25 = arith.constant 80 : i32
    %barrier3A_26 = arith.constant 0 : index
    tpu.barrier barrier_id(%barrier3A_26)
    %eq3A = arith.constant 0 : i32
    %eq3A_27 = arith.cmpi eq, %arg0, %eq3A : i32
    %convert_element_type3A = arith.extui %eq3A_27 : i1 to i32
    %cond3A = arith.constant 0 : i32
    %cond3A_28 = arith.cmpi ne, %convert_element_type3A, %cond3A : i32
    scf.if %cond3A_28 {
      %mul3A_34 = arith.constant 632 : i32
      %mul3A_35 = arith.muli %arg1, %mul3A_34 : i32
      %mul3A_36 = arith.constant 632 : i32
      %mul3A_37 = arith.muli %arg1, %mul3A_36 : i32
      "tpu.region"() ({
        %run_scoped3A = tpu.sem_alloc : memref<!tpu.dma_semaphore, #tpu.memory_space<semaphore_mem>>
        %dma_start3A = arith.constant 0 : i32
        %dma_start3A_38 = tpu.memref_slice %arg3[%mul3A_37, %dma_start3A] : memref<10112x16xf32, #tpu.memory_space<hbm>> -> memref<632x16xf32, #tpu.memory_space<hbm>>
        %dma_start3A_39 = arith.constant 0 : i32
        %dma_start3A_40 = tpu.memref_slice %arg8[%mul3A_35, %dma_start3A_39] : memref<10112x16xf32, #tpu.memory_space<vmem_shared>> -> memref<632x16xf32, #tpu.memory_space<vmem_shared>>
        tpu.enqueue_dma source(%dma_start3A_40 : memref<632x16xf32, #tpu.memory_space<vmem_shared>>) target(%dma_start3A_38 : memref<632x16xf32, #tpu.memory_space<hbm>>) target_semaphore(%run_scoped3A : memref<!tpu.dma_semaphore, #tpu.memory_space<semaphore_mem>>)
        %dma_wait3A = arith.constant 0 : i32
        %dma_wait3A_41 = tpu.memref_slice %arg3[%mul3A_37, %dma_wait3A] : memref<10112x16xf32, #tpu.memory_space<hbm>> -> memref<632x16xf32, #tpu.memory_space<hbm>>
        %dma_wait3A_42 = arith.constant 0 : i32
        %dma_wait3A_43 = tpu.memref_slice %arg8[%mul3A_35, %dma_wait3A_42] : memref<10112x16xf32, #tpu.memory_space<vmem_shared>> -> memref<632x16xf32, #tpu.memory_space<vmem_shared>>
        tpu.wait_dma2 semaphore(%run_scoped3A : memref<!tpu.dma_semaphore, #tpu.memory_space<semaphore_mem>>) src(%dma_wait3A_43 : memref<632x16xf32, #tpu.memory_space<vmem_shared>>) dst(%dma_wait3A_41 : memref<632x16xf32, #tpu.memory_space<hbm>>)
        tpu.yield
      }) : () -> ()
    } else {
    }
    %eq3A_29 = arith.constant 1 : i32
    %eq3A_30 = arith.cmpi eq, %arg0, %eq3A_29 : i32
    %convert_element_type3A_31 = arith.extui %eq3A_30 : i1 to i32
    %cond3A_32 = arith.constant 0 : i32
    %cond3A_33 = arith.cmpi ne, %convert_element_type3A_31, %cond3A_32 : i32
    scf.if %cond3A_33 {
      %mul3A_34 = arith.constant 632 : i32
      %mul3A_35 = arith.muli %arg1, %mul3A_34 : i32
      %mul3A_36 = arith.constant 632 : i32
      %mul3A_37 = arith.muli %arg1, %mul3A_36 : i32
      "tpu.region"() ({
        %run_scoped3A = tpu.sem_alloc : memref<!tpu.dma_semaphore, #tpu.memory_space<semaphore_mem>>
        %dma_start3A = arith.constant 0 : i32
        %dma_start3A_38 = tpu.memref_slice %arg4[%mul3A_37, %dma_start3A] : memref<10112x16xf32, #tpu.memory_space<hbm>> -> memref<632x16xf32, #tpu.memory_space<hbm>>
        %dma_start3A_39 = arith.constant 0 : i32
        %dma_start3A_40 = tpu.memref_slice %arg8[%mul3A_35, %dma_start3A_39] : memref<10112x16xf32, #tpu.memory_space<vmem_shared>> -> memref<632x16xf32, #tpu.memory_space<vmem_shared>>
        tpu.enqueue_dma source(%dma_start3A_40 : memref<632x16xf32, #tpu.memory_space<vmem_shared>>) target(%dma_start3A_38 : memref<632x16xf32, #tpu.memory_space<hbm>>) target_semaphore(%run_scoped3A : memref<!tpu.dma_semaphore, #tpu.memory_space<semaphore_mem>>)
        %dma_wait3A = arith.constant 0 : i32
        %dma_wait3A_41 = tpu.memref_slice %arg4[%mul3A_37, %dma_wait3A] : memref<10112x16xf32, #tpu.memory_space<hbm>> -> memref<632x16xf32, #tpu.memory_space<hbm>>
        %dma_wait3A_42 = arith.constant 0 : i32
        %dma_wait3A_43 = tpu.memref_slice %arg8[%mul3A_35, %dma_wait3A_42] : memref<10112x16xf32, #tpu.memory_space<vmem_shared>> -> memref<632x16xf32, #tpu.memory_space<vmem_shared>>
        tpu.wait_dma2 semaphore(%run_scoped3A : memref<!tpu.dma_semaphore, #tpu.memory_space<semaphore_mem>>) src(%dma_wait3A_43 : memref<632x16xf32, #tpu.memory_space<vmem_shared>>) dst(%dma_wait3A_41 : memref<632x16xf32, #tpu.memory_space<hbm>>)
        tpu.yield
      }) : () -> ()
    } else {
    }
    return
  }
}

#map = affine_map<(d0, d1) -> (0, 0)>
module attributes {stable_mosaic.version = 14 : i64} {
  func.func @_sc_scatter(%arg0: i32, %arg1: i32, %arg2: memref<10000x128xf32, #tpu.memory_space<hbm>>, %arg3: memref<2560x128xi32, #tpu.memory_space<hbm>>, %arg4: memref<2560x128xi32, #tpu.memory_space<hbm>>, %arg5: memref<10112x128xf32, #tpu.memory_space<hbm>>, %arg6: memref<10112x128xf32, #tpu.memory_space<hbm>>, %arg7: memref<128x128xi32, #tpu.memory_space<vmem>>, %arg8: memref<128x128xi32, #tpu.memory_space<vmem>>, %arg9: memref<128x128xf32, #tpu.memory_space<vmem>>, %arg10: memref<!tpu.dma_semaphore, #tpu.memory_space<semaphore_mem>>, %arg11: memref<10112x128xf32, #tpu.memory_space<vmem_shared>>) attributes {dimension_semantics = [#tpu.dimension_semantics<core_parallel>, #tpu.dimension_semantics<subcore_parallel>], iteration_bounds = array<i64: 2, 16>, scalar_prefetch = 0 : i64, scratch_operands = 5 : i64, tpu.core_type = #tpu.core_type<sc_vector_subcore>, window_params = [{transform_indices = #map}, {transform_indices = #map}, {transform_indices = #map}, {transform_indices = #map}, {transform_indices = #map}]} {
    %broadcast_in_dim3A = arith.constant 0.000000e+00 : f32
    %broadcast_in_dim3A_0 = vector.broadcast %broadcast_in_dim3A : f32 to vector<16xf32>
    %scan3A = arith.constant 0 : i32
    %scan3A_1 = arith.constant 0 : i32
    %scan3A_2 = arith.constant 128 : i32
    %scan3A_3 = arith.addi %scan3A_1, %scan3A_2 : i32
    %scan3A_4 = arith.constant 1 : i32
    %scan3A_5 = scf.for %scan3A_42 = %scan3A_1 to %scan3A_3 step %scan3A_4 iter_args(%scan3A_43 = %scan3A) -> (i32)  : i32 {
      %scan3A_44 = arith.constant 0 : i32
      %scan3A_45 = arith.constant 0 : i32
      %scan3A_46 = arith.constant 8 : i32
      %scan3A_47 = arith.addi %scan3A_45, %scan3A_46 : i32
      %scan3A_48 = arith.constant 1 : i32
      %scan3A_49 = scf.for %scan3A_52 = %scan3A_45 to %scan3A_47 step %scan3A_48 iter_args(%scan3A_53 = %scan3A_44) -> (i32)  : i32 {
        %mul3A_54 = arith.constant 16 : i32
        %mul3A_55 = arith.muli %scan3A_52, %mul3A_54 : i32
        %swap3A = arith.index_cast %scan3A_42 : i32 to index
        %swap3A_56 = arith.index_cast %mul3A_55 : i32 to index
        %swap3A_57 = tpu.vector_load %arg9[%swap3A, %swap3A_56] {strides = array<i32>} : memref<128x128xf32, #tpu.memory_space<vmem>>, vector<1x16xf32>,
        %swap3A_58 = vector.shape_cast %swap3A_57 : vector<1x16xf32> to vector<16xf32>
        %swap3A_59 = vector.shape_cast %broadcast_in_dim3A_0 : vector<16xf32> to vector<1x16xf32>
        tpu.vector_store %arg9[%swap3A, %swap3A_56], %swap3A_59 {strides = array<i32>} : memref<128x128xf32, #tpu.memory_space<vmem>>, vector<1x16xf32>,
        %scan3A_60 = arith.constant 0 : i32
        scf.yield %scan3A_60 : i32
      }
      %scan3A_50 = arith.constant 8 : i32
      %scan3A_51 = arith.constant 0 : i32
      scf.yield %scan3A_51 : i32
    }
    %scan3A_6 = arith.constant 128 : i32
    %mul3A = arith.constant 632 : i32
    %mul3A_7 = arith.muli %arg1, %mul3A : i32
    %add3A = arith.constant 0 : i32
    %add3A_8 = arith.addi %mul3A_7, %add3A : i32
    "tpu.region"() ({
      %run_scoped3A = tpu.sem_alloc : memref<!tpu.dma_semaphore, #tpu.memory_space<semaphore_mem>>
      %dma_start3A = arith.constant 0 : i32
      %dma_start3A_42 = tpu.memref_slice %arg11[%add3A_8, %dma_start3A] : memref<10112x128xf32, #tpu.memory_space<vmem_shared>> -> memref<128x128xf32, #tpu.memory_space<vmem_shared>>
      %dma_start3A_43 = arith.constant 0 : i32
      %dma_start3A_44 = tpu.memref_slice %arg11[%add3A_8, %dma_start3A_43] : memref<10112x128xf32, #tpu.memory_space<vmem_shared>> -> memref<128x128xf32, #tpu.memory_space<vmem_shared>>
      tpu.enqueue_dma source(%arg9 : memref<128x128xf32, #tpu.memory_space<vmem>>) target(%dma_start3A_44 : memref<128x128xf32, #tpu.memory_space<vmem_shared>>) target_semaphore(%run_scoped3A : memref<!tpu.dma_semaphore, #tpu.memory_space<semaphore_mem>>)
      %dma_wait3A = arith.constant 0 : i32
      %dma_wait3A_45 = tpu.memref_slice %arg11[%add3A_8, %dma_wait3A] : memref<10112x128xf32, #tpu.memory_space<vmem_shared>> -> memref<128x128xf32, #tpu.memory_space<vmem_shared>>
      %dma_wait3A_46 = arith.constant 0 : i32
      %dma_wait3A_47 = tpu.memref_slice %arg11[%add3A_8, %dma_wait3A_46] : memref<10112x128xf32, #tpu.memory_space<vmem_shared>> -> memref<128x128xf32, #tpu.memory_space<vmem_shared>>
      tpu.wait_dma2 semaphore(%run_scoped3A : memref<!tpu.dma_semaphore, #tpu.memory_space<semaphore_mem>>) src(%arg9 : memref<128x128xf32, #tpu.memory_space<vmem>>) dst(%dma_wait3A_47 : memref<128x128xf32, #tpu.memory_space<vmem_shared>>)
      tpu.yield
    }) : () -> ()
    %mul3A_9 = arith.constant 632 : i32
    %mul3A_10 = arith.muli %arg1, %mul3A_9 : i32
    %add3A_11 = arith.constant 128 : i32
    %add3A_12 = arith.addi %mul3A_10, %add3A_11 : i32
    "tpu.region"() ({
      %run_scoped3A = tpu.sem_alloc : memref<!tpu.dma_semaphore, #tpu.memory_space<semaphore_mem>>
      %dma_start3A = arith.constant 0 : i32
      %dma_start3A_42 = tpu.memref_slice %arg11[%add3A_12, %dma_start3A] : memref<10112x128xf32, #tpu.memory_space<vmem_shared>> -> memref<128x128xf32, #tpu.memory_space<vmem_shared>>
      %dma_start3A_43 = arith.constant 0 : i32
      %dma_start3A_44 = tpu.memref_slice %arg11[%add3A_12, %dma_start3A_43] : memref<10112x128xf32, #tpu.memory_space<vmem_shared>> -> memref<128x128xf32, #tpu.memory_space<vmem_shared>>
      tpu.enqueue_dma source(%arg9 : memref<128x128xf32, #tpu.memory_space<vmem>>) target(%dma_start3A_44 : memref<128x128xf32, #tpu.memory_space<vmem_shared>>) target_semaphore(%run_scoped3A : memref<!tpu.dma_semaphore, #tpu.memory_space<semaphore_mem>>)
      %dma_wait3A = arith.constant 0 : i32
      %dma_wait3A_45 = tpu.memref_slice %arg11[%add3A_12, %dma_wait3A] : memref<10112x128xf32, #tpu.memory_space<vmem_shared>> -> memref<128x128xf32, #tpu.memory_space<vmem_shared>>
      %dma_wait3A_46 = arith.constant 0 : i32
      %dma_wait3A_47 = tpu.memref_slice %arg11[%add3A_12, %dma_wait3A_46] : memref<10112x128xf32, #tpu.memory_space<vmem_shared>> -> memref<128x128xf32, #tpu.memory_space<vmem_shared>>
      tpu.wait_dma2 semaphore(%run_scoped3A : memref<!tpu.dma_semaphore, #tpu.memory_space<semaphore_mem>>) src(%arg9 : memref<128x128xf32, #tpu.memory_space<vmem>>) dst(%dma_wait3A_47 : memref<128x128xf32, #tpu.memory_space<vmem_shared>>)
      tpu.yield
    }) : () -> ()
    %mul3A_13 = arith.constant 632 : i32
    %mul3A_14 = arith.muli %arg1, %mul3A_13 : i32
    %add3A_15 = arith.constant 256 : i32
    %add3A_16 = arith.addi %mul3A_14, %add3A_15 : i32
    "tpu.region"() ({
      %run_scoped3A = tpu.sem_alloc : memref<!tpu.dma_semaphore, #tpu.memory_space<semaphore_mem>>
      %dma_start3A = arith.constant 0 : i32
      %dma_start3A_42 = tpu.memref_slice %arg11[%add3A_16, %dma_start3A] : memref<10112x128xf32, #tpu.memory_space<vmem_shared>> -> memref<128x128xf32, #tpu.memory_space<vmem_shared>>
      %dma_start3A_43 = arith.constant 0 : i32
      %dma_start3A_44 = tpu.memref_slice %arg11[%add3A_16, %dma_start3A_43] : memref<10112x128xf32, #tpu.memory_space<vmem_shared>> -> memref<128x128xf32, #tpu.memory_space<vmem_shared>>
      tpu.enqueue_dma source(%arg9 : memref<128x128xf32, #tpu.memory_space<vmem>>) target(%dma_start3A_44 : memref<128x128xf32, #tpu.memory_space<vmem_shared>>) target_semaphore(%run_scoped3A : memref<!tpu.dma_semaphore, #tpu.memory_space<semaphore_mem>>)
      %dma_wait3A = arith.constant 0 : i32
      %dma_wait3A_45 = tpu.memref_slice %arg11[%add3A_16, %dma_wait3A] : memref<10112x128xf32, #tpu.memory_space<vmem_shared>> -> memref<128x128xf32, #tpu.memory_space<vmem_shared>>
      %dma_wait3A_46 = arith.constant 0 : i32
      %dma_wait3A_47 = tpu.memref_slice %arg11[%add3A_16, %dma_wait3A_46] : memref<10112x128xf32, #tpu.memory_space<vmem_shared>> -> memref<128x128xf32, #tpu.memory_space<vmem_shared>>
      tpu.wait_dma2 semaphore(%run_scoped3A : memref<!tpu.dma_semaphore, #tpu.memory_space<semaphore_mem>>) src(%arg9 : memref<128x128xf32, #tpu.memory_space<vmem>>) dst(%dma_wait3A_47 : memref<128x128xf32, #tpu.memory_space<vmem_shared>>)
      tpu.yield
    }) : () -> ()
    %mul3A_17 = arith.constant 632 : i32
    %mul3A_18 = arith.muli %arg1, %mul3A_17 : i32
    %add3A_19 = arith.constant 384 : i32
    %add3A_20 = arith.addi %mul3A_18, %add3A_19 : i32
    "tpu.region"() ({
      %run_scoped3A = tpu.sem_alloc : memref<!tpu.dma_semaphore, #tpu.memory_space<semaphore_mem>>
      %dma_start3A = arith.constant 0 : i32
      %dma_start3A_42 = tpu.memref_slice %arg11[%add3A_20, %dma_start3A] : memref<10112x128xf32, #tpu.memory_space<vmem_shared>> -> memref<128x128xf32, #tpu.memory_space<vmem_shared>>
      %dma_start3A_43 = arith.constant 0 : i32
      %dma_start3A_44 = tpu.memref_slice %arg11[%add3A_20, %dma_start3A_43] : memref<10112x128xf32, #tpu.memory_space<vmem_shared>> -> memref<128x128xf32, #tpu.memory_space<vmem_shared>>
      tpu.enqueue_dma source(%arg9 : memref<128x128xf32, #tpu.memory_space<vmem>>) target(%dma_start3A_44 : memref<128x128xf32, #tpu.memory_space<vmem_shared>>) target_semaphore(%run_scoped3A : memref<!tpu.dma_semaphore, #tpu.memory_space<semaphore_mem>>)
      %dma_wait3A = arith.constant 0 : i32
      %dma_wait3A_45 = tpu.memref_slice %arg11[%add3A_20, %dma_wait3A] : memref<10112x128xf32, #tpu.memory_space<vmem_shared>> -> memref<128x128xf32, #tpu.memory_space<vmem_shared>>
      %dma_wait3A_46 = arith.constant 0 : i32
      %dma_wait3A_47 = tpu.memref_slice %arg11[%add3A_20, %dma_wait3A_46] : memref<10112x128xf32, #tpu.memory_space<vmem_shared>> -> memref<128x128xf32, #tpu.memory_space<vmem_shared>>
      tpu.wait_dma2 semaphore(%run_scoped3A : memref<!tpu.dma_semaphore, #tpu.memory_space<semaphore_mem>>) src(%arg9 : memref<128x128xf32, #tpu.memory_space<vmem>>) dst(%dma_wait3A_47 : memref<128x128xf32, #tpu.memory_space<vmem_shared>>)
      tpu.yield
    }) : () -> ()
    %mul3A_21 = arith.constant 632 : i32
    %mul3A_22 = arith.muli %arg1, %mul3A_21 : i32
    %add3A_23 = arith.constant 512 : i32
    %add3A_24 = arith.addi %mul3A_22, %add3A_23 : i32
    "tpu.region"() ({
      %run_scoped3A = tpu.sem_alloc : memref<!tpu.dma_semaphore, #tpu.memory_space<semaphore_mem>>
      %dma_start3A = arith.constant 0 : i32
      %dma_start3A_42 = arith.constant 0 : i32
      %dma_start3A_43 = tpu.memref_slice %arg9[%dma_start3A, %dma_start3A_42] : memref<128x128xf32, #tpu.memory_space<vmem>> -> memref<120x128xf32, #tpu.memory_space<vmem>>
      %dma_start3A_44 = arith.constant 0 : i32
      %dma_start3A_45 = tpu.memref_slice %arg11[%add3A_24, %dma_start3A_44] : memref<10112x128xf32, #tpu.memory_space<vmem_shared>> -> memref<120x128xf32, #tpu.memory_space<vmem_shared>>
      %dma_start3A_46 = arith.constant 0 : i32
      %dma_start3A_47 = tpu.memref_slice %arg11[%add3A_24, %dma_start3A_46] : memref<10112x128xf32, #tpu.memory_space<vmem_shared>> -> memref<120x128xf32, #tpu.memory_space<vmem_shared>>
      %dma_start3A_48 = arith.constant 0 : i32
      %dma_start3A_49 = arith.constant 0 : i32
      %dma_start3A_50 = tpu.memref_slice %arg9[%dma_start3A_48, %dma_start3A_49] : memref<128x128xf32, #tpu.memory_space<vmem>> -> memref<120x128xf32, #tpu.memory_space<vmem>>
      tpu.enqueue_dma source(%dma_start3A_50 : memref<120x128xf32, #tpu.memory_space<vmem>>) target(%dma_start3A_47 : memref<120x128xf32, #tpu.memory_space<vmem_shared>>) target_semaphore(%run_scoped3A : memref<!tpu.dma_semaphore, #tpu.memory_space<semaphore_mem>>)
      %dma_wait3A = arith.constant 0 : i32
      %dma_wait3A_51 = arith.constant 0 : i32
      %dma_wait3A_52 = tpu.memref_slice %arg9[%dma_wait3A, %dma_wait3A_51] : memref<128x128xf32, #tpu.memory_space<vmem>> -> memref<120x128xf32, #tpu.memory_space<vmem>>
      %dma_wait3A_53 = arith.constant 0 : i32
      %dma_wait3A_54 = tpu.memref_slice %arg11[%add3A_24, %dma_wait3A_53] : memref<10112x128xf32, #tpu.memory_space<vmem_shared>> -> memref<120x128xf32, #tpu.memory_space<vmem_shared>>
      %dma_wait3A_55 = arith.constant 0 : i32
      %dma_wait3A_56 = tpu.memref_slice %arg11[%add3A_24, %dma_wait3A_55] : memref<10112x128xf32, #tpu.memory_space<vmem_shared>> -> memref<120x128xf32, #tpu.memory_space<vmem_shared>>
      %dma_wait3A_57 = arith.constant 0 : i32
      %dma_wait3A_58 = arith.constant 0 : i32
      %dma_wait3A_59 = tpu.memref_slice %arg9[%dma_wait3A_57, %dma_wait3A_58] : memref<128x128xf32, #tpu.memory_space<vmem>> -> memref<120x128xf32, #tpu.memory_space<vmem>>
      tpu.wait_dma2 semaphore(%run_scoped3A : memref<!tpu.dma_semaphore, #tpu.memory_space<semaphore_mem>>) src(%dma_wait3A_59 : memref<120x128xf32, #tpu.memory_space<vmem>>) dst(%dma_wait3A_56 : memref<120x128xf32, #tpu.memory_space<vmem_shared>>)
      tpu.yield
    }) : () -> ()
    %eq3A = arith.constant 0 : i32
    %eq3A_25 = arith.cmpi eq, %arg0, %eq3A : i32
    %convert_element_type3A = arith.extui %eq3A_25 : i1 to i32
    %cond3A = arith.constant 0 : i32
    %cond3A_26 = arith.cmpi ne, %convert_element_type3A, %cond3A : i32
    scf.if %cond3A_26 {
      %mul3A_42 = arith.constant 128 : i32
      %mul3A_43 = arith.muli %arg1, %mul3A_42 : i32
      "tpu.region"() ({
        %run_scoped3A = tpu.sem_alloc : memref<!tpu.dma_semaphore, #tpu.memory_space<semaphore_mem>>
        %dma_start3A = arith.constant 0 : i32
        %dma_start3A_52 = arith.constant 0 : i32
        %dma_start3A_53 = tpu.memref_slice %arg7[%dma_start3A, %dma_start3A_52] : memref<128x128xi32, #tpu.memory_space<vmem>> -> memref<128x128xi32, #tpu.memory_space<vmem>>
        %dma_start3A_54 = arith.constant 0 : i32
        %dma_start3A_55 = tpu.memref_slice %arg3[%mul3A_43, %dma_start3A_54] : memref<2560x128xi32, #tpu.memory_space<hbm>> -> memref<128x128xi32, #tpu.memory_space<hbm>>
        %dma_start3A_56 = arith.constant 0 : i32
        %dma_start3A_57 = arith.constant 0 : i32
        %dma_start3A_58 = tpu.memref_slice %arg7[%dma_start3A_56, %dma_start3A_57] : memref<128x128xi32, #tpu.memory_space<vmem>> -> memref<128x128xi32, #tpu.memory_space<vmem>>
        %dma_start3A_59 = arith.constant 0 : i32
        %dma_start3A_60 = tpu.memref_slice %arg3[%mul3A_43, %dma_start3A_59] : memref<2560x128xi32, #tpu.memory_space<hbm>> -> memref<128x128xi32, #tpu.memory_space<hbm>>
        tpu.enqueue_dma source(%dma_start3A_60 : memref<128x128xi32, #tpu.memory_space<hbm>>) target(%dma_start3A_58 : memref<128x128xi32, #tpu.memory_space<vmem>>) target_semaphore(%run_scoped3A : memref<!tpu.dma_semaphore, #tpu.memory_space<semaphore_mem>>)
        %dma_wait3A = arith.constant 0 : i32
        %dma_wait3A_61 = arith.constant 0 : i32
        %dma_wait3A_62 = tpu.memref_slice %arg7[%dma_wait3A, %dma_wait3A_61] : memref<128x128xi32, #tpu.memory_space<vmem>> -> memref<128x128xi32, #tpu.memory_space<vmem>>
        %dma_wait3A_63 = arith.constant 0 : i32
        %dma_wait3A_64 = tpu.memref_slice %arg3[%mul3A_43, %dma_wait3A_63] : memref<2560x128xi32, #tpu.memory_space<hbm>> -> memref<128x128xi32, #tpu.memory_space<hbm>>
        %dma_wait3A_65 = arith.constant 0 : i32
        %dma_wait3A_66 = arith.constant 0 : i32
        %dma_wait3A_67 = tpu.memref_slice %arg7[%dma_wait3A_65, %dma_wait3A_66] : memref<128x128xi32, #tpu.memory_space<vmem>> -> memref<128x128xi32, #tpu.memory_space<vmem>>
        %dma_wait3A_68 = arith.constant 0 : i32
        %dma_wait3A_69 = tpu.memref_slice %arg3[%mul3A_43, %dma_wait3A_68] : memref<2560x128xi32, #tpu.memory_space<hbm>> -> memref<128x128xi32, #tpu.memory_space<hbm>>
        tpu.wait_dma2 semaphore(%run_scoped3A : memref<!tpu.dma_semaphore, #tpu.memory_space<semaphore_mem>>) src(%dma_wait3A_69 : memref<128x128xi32, #tpu.memory_space<hbm>>) dst(%dma_wait3A_67 : memref<128x128xi32, #tpu.memory_space<vmem>>)
        tpu.yield
      }) : () -> ()
      "tpu.region"() ({
        %run_scoped3A = tpu.sem_alloc : memref<!tpu.dma_semaphore, #tpu.memory_space<semaphore_mem>>
        %dma_start3A = arith.constant 0 : i32
        %dma_start3A_52 = arith.constant 0 : i32
        %dma_start3A_53 = tpu.memref_slice %arg8[%dma_start3A, %dma_start3A_52] : memref<128x128xi32, #tpu.memory_space<vmem>> -> memref<128x128xi32, #tpu.memory_space<vmem>>
        %dma_start3A_54 = arith.constant 0 : i32
        %dma_start3A_55 = tpu.memref_slice %arg4[%mul3A_43, %dma_start3A_54] : memref<2560x128xi32, #tpu.memory_space<hbm>> -> memref<128x128xi32, #tpu.memory_space<hbm>>
        %dma_start3A_56 = arith.constant 0 : i32
        %dma_start3A_57 = arith.constant 0 : i32
        %dma_start3A_58 = tpu.memref_slice %arg8[%dma_start3A_56, %dma_start3A_57] : memref<128x128xi32, #tpu.memory_space<vmem>> -> memref<128x128xi32, #tpu.memory_space<vmem>>
        %dma_start3A_59 = arith.constant 0 : i32
        %dma_start3A_60 = tpu.memref_slice %arg4[%mul3A_43, %dma_start3A_59] : memref<2560x128xi32, #tpu.memory_space<hbm>> -> memref<128x128xi32, #tpu.memory_space<hbm>>
        tpu.enqueue_dma source(%dma_start3A_60 : memref<128x128xi32, #tpu.memory_space<hbm>>) target(%dma_start3A_58 : memref<128x128xi32, #tpu.memory_space<vmem>>) target_semaphore(%run_scoped3A : memref<!tpu.dma_semaphore, #tpu.memory_space<semaphore_mem>>)
        %dma_wait3A = arith.constant 0 : i32
        %dma_wait3A_61 = arith.constant 0 : i32
        %dma_wait3A_62 = tpu.memref_slice %arg8[%dma_wait3A, %dma_wait3A_61] : memref<128x128xi32, #tpu.memory_space<vmem>> -> memref<128x128xi32, #tpu.memory_space<vmem>>
        %dma_wait3A_63 = arith.constant 0 : i32
        %dma_wait3A_64 = tpu.memref_slice %arg4[%mul3A_43, %dma_wait3A_63] : memref<2560x128xi32, #tpu.memory_space<hbm>> -> memref<128x128xi32, #tpu.memory_space<hbm>>
        %dma_wait3A_65 = arith.constant 0 : i32
        %dma_wait3A_66 = arith.constant 0 : i32
        %dma_wait3A_67 = tpu.memref_slice %arg8[%dma_wait3A_65, %dma_wait3A_66] : memref<128x128xi32, #tpu.memory_space<vmem>> -> memref<128x128xi32, #tpu.memory_space<vmem>>
        %dma_wait3A_68 = arith.constant 0 : i32
        %dma_wait3A_69 = tpu.memref_slice %arg4[%mul3A_43, %dma_wait3A_68] : memref<2560x128xi32, #tpu.memory_space<hbm>> -> memref<128x128xi32, #tpu.memory_space<hbm>>
        tpu.wait_dma2 semaphore(%run_scoped3A : memref<!tpu.dma_semaphore, #tpu.memory_space<semaphore_mem>>) src(%dma_wait3A_69 : memref<128x128xi32, #tpu.memory_space<hbm>>) dst(%dma_wait3A_67 : memref<128x128xi32, #tpu.memory_space<vmem>>)
        tpu.yield
      }) : () -> ()
      %barrier3A_44 = arith.constant 0 : index
      tpu.barrier barrier_id(%barrier3A_44)
      %scan3A_45 = arith.constant 0 : i32
      %scan3A_46 = arith.constant 0 : i32
      %scan3A_47 = arith.constant 128 : i32
      %scan3A_48 = arith.addi %scan3A_46, %scan3A_47 : i32
      %scan3A_49 = arith.constant 1 : i32
      %scan3A_50 = scf.for %scan3A_52 = %scan3A_46 to %scan3A_48 step %scan3A_49 iter_args(%scan3A_53 = %scan3A_45) -> (i32)  : i32 {
        %dma_start3A = arith.constant 0 : i32
        %dma_start3A_54 = tpu.memref_slice %arg7[%scan3A_52, %dma_start3A] : memref<128x128xi32, #tpu.memory_space<vmem>> -> memref<1x128xi32, #tpu.memory_space<vmem>>
        %dma_start3A_55 = tpu.memref_squeeze %dma_start3A_54 : memref<1x128xi32, #tpu.memory_space<vmem>> -> memref<128xi32, #tpu.memory_space<vmem>>
        %dma_start3A_56 = arith.constant 0 : i32
        %dma_start3A_57 = arith.constant 0 : i32
        %dma_start3A_58 = tpu.memref_slice %arg2[%dma_start3A_56, %dma_start3A_57] : memref<10000x128xf32, #tpu.memory_space<hbm>> -> memref<10000x128xf32, #tpu.memory_space<hbm>>
        tpu.enqueue_indirect_dma source(%dma_start3A_58 : memref<10000x128xf32, #tpu.memory_space<hbm>>) target(%arg9 : memref<128x128xf32, #tpu.memory_space<vmem>>) offsets(%dma_start3A_55 : memref<128xi32, #tpu.memory_space<vmem>>) semaphore(%arg10 : memref<!tpu.dma_semaphore, #tpu.memory_space<semaphore_mem>>)
        %dma_wait3A = arith.constant 0 : i32
        %dma_wait3A_59 = tpu.memref_slice %arg7[%scan3A_52, %dma_wait3A] : memref<128x128xi32, #tpu.memory_space<vmem>> -> memref<1x128xi32, #tpu.memory_space<vmem>>
        %dma_wait3A_60 = tpu.memref_squeeze %dma_wait3A_59 : memref<1x128xi32, #tpu.memory_space<vmem>> -> memref<128xi32, #tpu.memory_space<vmem>>
        %dma_wait3A_61 = arith.constant 0 : i32
        %dma_wait3A_62 = arith.constant 0 : i32
        %dma_wait3A_63 = tpu.memref_slice %arg2[%dma_wait3A_61, %dma_wait3A_62] : memref<10000x128xf32, #tpu.memory_space<hbm>> -> memref<10000x128xf32, #tpu.memory_space<hbm>>
        tpu.wait_indirect_dma semaphore(%arg10 : memref<!tpu.dma_semaphore, #tpu.memory_space<semaphore_mem>>) src(%dma_wait3A_63 : memref<10000x128xf32, #tpu.memory_space<hbm>>) dst(%arg9 : memref<128x128xf32, #tpu.memory_space<vmem>>)
        "tpu.region"() ({
          %run_scoped3A = tpu.sem_alloc : memref<!tpu.dma_semaphore, #tpu.memory_space<semaphore_mem>>
          %dma_start3A_65 = arith.constant 0 : i32
          %dma_start3A_66 = tpu.memref_slice %arg8[%scan3A_52, %dma_start3A_65] : memref<128x128xi32, #tpu.memory_space<vmem>> -> memref<1x128xi32, #tpu.memory_space<vmem>>
          %dma_start3A_67 = tpu.memref_squeeze %dma_start3A_66 : memref<1x128xi32, #tpu.memory_space<vmem>> -> memref<128xi32, #tpu.memory_space<vmem>>
          %dma_start3A_68 = arith.constant 0 : i32
          %dma_start3A_69 = arith.constant 0 : i32
          %dma_start3A_70 = tpu.memref_slice %arg11[%dma_start3A_68, %dma_start3A_69] : memref<10112x128xf32, #tpu.memory_space<vmem_shared>> -> memref<10112x128xf32, #tpu.memory_space<vmem_shared>>
          tpu.enqueue_indirect_dma source(%arg9 : memref<128x128xf32, #tpu.memory_space<vmem>>) target(%dma_start3A_70 : memref<10112x128xf32, #tpu.memory_space<vmem_shared>>) offsets(%dma_start3A_67 : memref<128xi32, #tpu.memory_space<vmem>>) semaphore(%run_scoped3A : memref<!tpu.dma_semaphore, #tpu.memory_space<semaphore_mem>>) {add = true}
          %dma_wait3A_71 = arith.constant 0 : i32
          %dma_wait3A_72 = tpu.memref_slice %arg8[%scan3A_52, %dma_wait3A_71] : memref<128x128xi32, #tpu.memory_space<vmem>> -> memref<1x128xi32, #tpu.memory_space<vmem>>
          %dma_wait3A_73 = tpu.memref_squeeze %dma_wait3A_72 : memref<1x128xi32, #tpu.memory_space<vmem>> -> memref<128xi32, #tpu.memory_space<vmem>>
          %dma_wait3A_74 = arith.constant 0 : i32
          %dma_wait3A_75 = arith.constant 0 : i32
          %dma_wait3A_76 = tpu.memref_slice %arg11[%dma_wait3A_74, %dma_wait3A_75] : memref<10112x128xf32, #tpu.memory_space<vmem_shared>> -> memref<10112x128xf32, #tpu.memory_space<vmem_shared>>
          tpu.wait_indirect_dma semaphore(%run_scoped3A : memref<!tpu.dma_semaphore, #tpu.memory_space<semaphore_mem>>) src(%arg9 : memref<128x128xf32, #tpu.memory_space<vmem>>) dst(%dma_wait3A_76 : memref<10112x128xf32, #tpu.memory_space<vmem_shared>>)
          tpu.yield
        }) : () -> ()
        %scan3A_64 = arith.constant 0 : i32
        scf.yield %scan3A_64 : i32
      }
      %scan3A_51 = arith.constant 128 : i32
    } else {
    }
    %eq3A_27 = arith.constant 1 : i32
    %eq3A_28 = arith.cmpi eq, %arg0, %eq3A_27 : i32
    %convert_element_type3A_29 = arith.extui %eq3A_28 : i1 to i32
    %cond3A_30 = arith.constant 0 : i32
    %cond3A_31 = arith.cmpi ne, %convert_element_type3A_29, %cond3A_30 : i32
    scf.if %cond3A_31 {
      %mul3A_42 = arith.constant 32 : i32
      %mul3A_43 = arith.muli %arg1, %mul3A_42 : i32
      %add3A_44 = arith.constant 2048 : i32
      %add3A_45 = arith.addi %add3A_44, %mul3A_43 : i32
      "tpu.region"() ({
        %run_scoped3A = tpu.sem_alloc : memref<!tpu.dma_semaphore, #tpu.memory_space<semaphore_mem>>
        %dma_start3A = arith.constant 0 : i32
        %dma_start3A_54 = arith.constant 0 : i32
        %dma_start3A_55 = tpu.memref_slice %arg7[%dma_start3A, %dma_start3A_54] : memref<128x128xi32, #tpu.memory_space<vmem>> -> memref<32x128xi32, #tpu.memory_space<vmem>>
        %dma_start3A_56 = arith.constant 0 : i32
        %dma_start3A_57 = tpu.memref_slice %arg3[%add3A_45, %dma_start3A_56] : memref<2560x128xi32, #tpu.memory_space<hbm>> -> memref<32x128xi32, #tpu.memory_space<hbm>>
        %dma_start3A_58 = arith.constant 0 : i32
        %dma_start3A_59 = arith.constant 0 : i32
        %dma_start3A_60 = tpu.memref_slice %arg7[%dma_start3A_58, %dma_start3A_59] : memref<128x128xi32, #tpu.memory_space<vmem>> -> memref<32x128xi32, #tpu.memory_space<vmem>>
        %dma_start3A_61 = arith.constant 0 : i32
        %dma_start3A_62 = tpu.memref_slice %arg3[%add3A_45, %dma_start3A_61] : memref<2560x128xi32, #tpu.memory_space<hbm>> -> memref<32x128xi32, #tpu.memory_space<hbm>>
        tpu.enqueue_dma source(%dma_start3A_62 : memref<32x128xi32, #tpu.memory_space<hbm>>) target(%dma_start3A_60 : memref<32x128xi32, #tpu.memory_space<vmem>>) target_semaphore(%run_scoped3A : memref<!tpu.dma_semaphore, #tpu.memory_space<semaphore_mem>>)
        %dma_wait3A = arith.constant 0 : i32
        %dma_wait3A_63 = arith.constant 0 : i32
        %dma_wait3A_64 = tpu.memref_slice %arg7[%dma_wait3A, %dma_wait3A_63] : memref<128x128xi32, #tpu.memory_space<vmem>> -> memref<32x128xi32, #tpu.memory_space<vmem>>
        %dma_wait3A_65 = arith.constant 0 : i32
        %dma_wait3A_66 = tpu.memref_slice %arg3[%add3A_45, %dma_wait3A_65] : memref<2560x128xi32, #tpu.memory_space<hbm>> -> memref<32x128xi32, #tpu.memory_space<hbm>>
        %dma_wait3A_67 = arith.constant 0 : i32
        %dma_wait3A_68 = arith.constant 0 : i32
        %dma_wait3A_69 = tpu.memref_slice %arg7[%dma_wait3A_67, %dma_wait3A_68] : memref<128x128xi32, #tpu.memory_space<vmem>> -> memref<32x128xi32, #tpu.memory_space<vmem>>
        %dma_wait3A_70 = arith.constant 0 : i32
        %dma_wait3A_71 = tpu.memref_slice %arg3[%add3A_45, %dma_wait3A_70] : memref<2560x128xi32, #tpu.memory_space<hbm>> -> memref<32x128xi32, #tpu.memory_space<hbm>>
        tpu.wait_dma2 semaphore(%run_scoped3A : memref<!tpu.dma_semaphore, #tpu.memory_space<semaphore_mem>>) src(%dma_wait3A_71 : memref<32x128xi32, #tpu.memory_space<hbm>>) dst(%dma_wait3A_69 : memref<32x128xi32, #tpu.memory_space<vmem>>)
        tpu.yield
      }) : () -> ()
      "tpu.region"() ({
        %run_scoped3A = tpu.sem_alloc : memref<!tpu.dma_semaphore, #tpu.memory_space<semaphore_mem>>
        %dma_start3A = arith.constant 0 : i32
        %dma_start3A_54 = arith.constant 0 : i32
        %dma_start3A_55 = tpu.memref_slice %arg8[%dma_start3A, %dma_start3A_54] : memref<128x128xi32, #tpu.memory_space<vmem>> -> memref<32x128xi32, #tpu.memory_space<vmem>>
        %dma_start3A_56 = arith.constant 0 : i32
        %dma_start3A_57 = tpu.memref_slice %arg4[%add3A_45, %dma_start3A_56] : memref<2560x128xi32, #tpu.memory_space<hbm>> -> memref<32x128xi32, #tpu.memory_space<hbm>>
        %dma_start3A_58 = arith.constant 0 : i32
        %dma_start3A_59 = arith.constant 0 : i32
        %dma_start3A_60 = tpu.memref_slice %arg8[%dma_start3A_58, %dma_start3A_59] : memref<128x128xi32, #tpu.memory_space<vmem>> -> memref<32x128xi32, #tpu.memory_space<vmem>>
        %dma_start3A_61 = arith.constant 0 : i32
        %dma_start3A_62 = tpu.memref_slice %arg4[%add3A_45, %dma_start3A_61] : memref<2560x128xi32, #tpu.memory_space<hbm>> -> memref<32x128xi32, #tpu.memory_space<hbm>>
        tpu.enqueue_dma source(%dma_start3A_62 : memref<32x128xi32, #tpu.memory_space<hbm>>) target(%dma_start3A_60 : memref<32x128xi32, #tpu.memory_space<vmem>>) target_semaphore(%run_scoped3A : memref<!tpu.dma_semaphore, #tpu.memory_space<semaphore_mem>>)
        %dma_wait3A = arith.constant 0 : i32
        %dma_wait3A_63 = arith.constant 0 : i32
        %dma_wait3A_64 = tpu.memref_slice %arg8[%dma_wait3A, %dma_wait3A_63] : memref<128x128xi32, #tpu.memory_space<vmem>> -> memref<32x128xi32, #tpu.memory_space<vmem>>
        %dma_wait3A_65 = arith.constant 0 : i32
        %dma_wait3A_66 = tpu.memref_slice %arg4[%add3A_45, %dma_wait3A_65] : memref<2560x128xi32, #tpu.memory_space<hbm>> -> memref<32x128xi32, #tpu.memory_space<hbm>>
        %dma_wait3A_67 = arith.constant 0 : i32
        %dma_wait3A_68 = arith.constant 0 : i32
        %dma_wait3A_69 = tpu.memref_slice %arg8[%dma_wait3A_67, %dma_wait3A_68] : memref<128x128xi32, #tpu.memory_space<vmem>> -> memref<32x128xi32, #tpu.memory_space<vmem>>
        %dma_wait3A_70 = arith.constant 0 : i32
        %dma_wait3A_71 = tpu.memref_slice %arg4[%add3A_45, %dma_wait3A_70] : memref<2560x128xi32, #tpu.memory_space<hbm>> -> memref<32x128xi32, #tpu.memory_space<hbm>>
        tpu.wait_dma2 semaphore(%run_scoped3A : memref<!tpu.dma_semaphore, #tpu.memory_space<semaphore_mem>>) src(%dma_wait3A_71 : memref<32x128xi32, #tpu.memory_space<hbm>>) dst(%dma_wait3A_69 : memref<32x128xi32, #tpu.memory_space<vmem>>)
        tpu.yield
      }) : () -> ()
      %barrier3A_46 = arith.constant 0 : index
      tpu.barrier barrier_id(%barrier3A_46)
      %scan3A_47 = arith.constant 0 : i32
      %scan3A_48 = arith.constant 0 : i32
      %scan3A_49 = arith.constant 32 : i32
      %scan3A_50 = arith.addi %scan3A_48, %scan3A_49 : i32
      %scan3A_51 = arith.constant 1 : i32
      %scan3A_52 = scf.for %scan3A_54 = %scan3A_48 to %scan3A_50 step %scan3A_51 iter_args(%scan3A_55 = %scan3A_47) -> (i32)  : i32 {
        %dma_start3A = arith.constant 0 : i32
        %dma_start3A_56 = tpu.memref_slice %arg7[%scan3A_54, %dma_start3A] : memref<128x128xi32, #tpu.memory_space<vmem>> -> memref<1x128xi32, #tpu.memory_space<vmem>>
        %dma_start3A_57 = tpu.memref_squeeze %dma_start3A_56 : memref<1x128xi32, #tpu.memory_space<vmem>> -> memref<128xi32, #tpu.memory_space<vmem>>
        %dma_start3A_58 = arith.constant 0 : i32
        %dma_start3A_59 = arith.constant 0 : i32
        %dma_start3A_60 = tpu.memref_slice %arg2[%dma_start3A_58, %dma_start3A_59] : memref<10000x128xf32, #tpu.memory_space<hbm>> -> memref<10000x128xf32, #tpu.memory_space<hbm>>
        tpu.enqueue_indirect_dma source(%dma_start3A_60 : memref<10000x128xf32, #tpu.memory_space<hbm>>) target(%arg9 : memref<128x128xf32, #tpu.memory_space<vmem>>) offsets(%dma_start3A_57 : memref<128xi32, #tpu.memory_space<vmem>>) semaphore(%arg10 : memref<!tpu.dma_semaphore, #tpu.memory_space<semaphore_mem>>)
        %dma_wait3A = arith.constant 0 : i32
        %dma_wait3A_61 = tpu.memref_slice %arg7[%scan3A_54, %dma_wait3A] : memref<128x128xi32, #tpu.memory_space<vmem>> -> memref<1x128xi32, #tpu.memory_space<vmem>>
        %dma_wait3A_62 = tpu.memref_squeeze %dma_wait3A_61 : memref<1x128xi32, #tpu.memory_space<vmem>> -> memref<128xi32, #tpu.memory_space<vmem>>
        %dma_wait3A_63 = arith.constant 0 : i32
        %dma_wait3A_64 = arith.constant 0 : i32
        %dma_wait3A_65 = tpu.memref_slice %arg2[%dma_wait3A_63, %dma_wait3A_64] : memref<10000x128xf32, #tpu.memory_space<hbm>> -> memref<10000x128xf32, #tpu.memory_space<hbm>>
        tpu.wait_indirect_dma semaphore(%arg10 : memref<!tpu.dma_semaphore, #tpu.memory_space<semaphore_mem>>) src(%dma_wait3A_65 : memref<10000x128xf32, #tpu.memory_space<hbm>>) dst(%arg9 : memref<128x128xf32, #tpu.memory_space<vmem>>)
        "tpu.region"() ({
          %run_scoped3A = tpu.sem_alloc : memref<!tpu.dma_semaphore, #tpu.memory_space<semaphore_mem>>
          %dma_start3A_67 = arith.constant 0 : i32
          %dma_start3A_68 = tpu.memref_slice %arg8[%scan3A_54, %dma_start3A_67] : memref<128x128xi32, #tpu.memory_space<vmem>> -> memref<1x128xi32, #tpu.memory_space<vmem>>
          %dma_start3A_69 = tpu.memref_squeeze %dma_start3A_68 : memref<1x128xi32, #tpu.memory_space<vmem>> -> memref<128xi32, #tpu.memory_space<vmem>>
          %dma_start3A_70 = arith.constant 0 : i32
          %dma_start3A_71 = arith.constant 0 : i32
          %dma_start3A_72 = tpu.memref_slice %arg11[%dma_start3A_70, %dma_start3A_71] : memref<10112x128xf32, #tpu.memory_space<vmem_shared>> -> memref<10112x128xf32, #tpu.memory_space<vmem_shared>>
          tpu.enqueue_indirect_dma source(%arg9 : memref<128x128xf32, #tpu.memory_space<vmem>>) target(%dma_start3A_72 : memref<10112x128xf32, #tpu.memory_space<vmem_shared>>) offsets(%dma_start3A_69 : memref<128xi32, #tpu.memory_space<vmem>>) semaphore(%run_scoped3A : memref<!tpu.dma_semaphore, #tpu.memory_space<semaphore_mem>>) {add = true}
          %dma_wait3A_73 = arith.constant 0 : i32
          %dma_wait3A_74 = tpu.memref_slice %arg8[%scan3A_54, %dma_wait3A_73] : memref<128x128xi32, #tpu.memory_space<vmem>> -> memref<1x128xi32, #tpu.memory_space<vmem>>
          %dma_wait3A_75 = tpu.memref_squeeze %dma_wait3A_74 : memref<1x128xi32, #tpu.memory_space<vmem>> -> memref<128xi32, #tpu.memory_space<vmem>>
          %dma_wait3A_76 = arith.constant 0 : i32
          %dma_wait3A_77 = arith.constant 0 : i32
          %dma_wait3A_78 = tpu.memref_slice %arg11[%dma_wait3A_76, %dma_wait3A_77] : memref<10112x128xf32, #tpu.memory_space<vmem_shared>> -> memref<10112x128xf32, #tpu.memory_space<vmem_shared>>
          tpu.wait_indirect_dma semaphore(%run_scoped3A : memref<!tpu.dma_semaphore, #tpu.memory_space<semaphore_mem>>) src(%arg9 : memref<128x128xf32, #tpu.memory_space<vmem>>) dst(%dma_wait3A_78 : memref<10112x128xf32, #tpu.memory_space<vmem_shared>>)
          tpu.yield
        }) : () -> ()
        %scan3A_66 = arith.constant 0 : i32
        scf.yield %scan3A_66 : i32
      }
      %scan3A_53 = arith.constant 32 : i32
    } else {
    }
    %barrier3A = arith.constant 0 : index
    tpu.barrier barrier_id(%barrier3A)
    %eq3A_32 = arith.constant 0 : i32
    %eq3A_33 = arith.cmpi eq, %arg0, %eq3A_32 : i32
    %convert_element_type3A_34 = arith.extui %eq3A_33 : i1 to i32
    %cond3A_35 = arith.constant 0 : i32
    %cond3A_36 = arith.cmpi ne, %convert_element_type3A_34, %cond3A_35 : i32
    scf.if %cond3A_36 {
      %mul3A_42 = arith.constant 632 : i32
      %mul3A_43 = arith.muli %arg1, %mul3A_42 : i32
      %mul3A_44 = arith.constant 632 : i32
      %mul3A_45 = arith.muli %arg1, %mul3A_44 : i32
      "tpu.region"() ({
        %run_scoped3A = tpu.sem_alloc : memref<!tpu.dma_semaphore, #tpu.memory_space<semaphore_mem>>
        %dma_start3A = arith.constant 0 : i32
        %dma_start3A_46 = tpu.memref_slice %arg5[%mul3A_45, %dma_start3A] : memref<10112x128xf32, #tpu.memory_space<hbm>> -> memref<632x128xf32, #tpu.memory_space<hbm>>
        %dma_start3A_47 = arith.constant 0 : i32
        %dma_start3A_48 = tpu.memref_slice %arg11[%mul3A_43, %dma_start3A_47] : memref<10112x128xf32, #tpu.memory_space<vmem_shared>> -> memref<632x128xf32, #tpu.memory_space<vmem_shared>>
        tpu.enqueue_dma source(%dma_start3A_48 : memref<632x128xf32, #tpu.memory_space<vmem_shared>>) target(%dma_start3A_46 : memref<632x128xf32, #tpu.memory_space<hbm>>) target_semaphore(%run_scoped3A : memref<!tpu.dma_semaphore, #tpu.memory_space<semaphore_mem>>)
        %dma_wait3A = arith.constant 0 : i32
        %dma_wait3A_49 = tpu.memref_slice %arg5[%mul3A_45, %dma_wait3A] : memref<10112x128xf32, #tpu.memory_space<hbm>> -> memref<632x128xf32, #tpu.memory_space<hbm>>
        %dma_wait3A_50 = arith.constant 0 : i32
        %dma_wait3A_51 = tpu.memref_slice %arg11[%mul3A_43, %dma_wait3A_50] : memref<10112x128xf32, #tpu.memory_space<vmem_shared>> -> memref<632x128xf32, #tpu.memory_space<vmem_shared>>
        tpu.wait_dma2 semaphore(%run_scoped3A : memref<!tpu.dma_semaphore, #tpu.memory_space<semaphore_mem>>) src(%dma_wait3A_51 : memref<632x128xf32, #tpu.memory_space<vmem_shared>>) dst(%dma_wait3A_49 : memref<632x128xf32, #tpu.memory_space<hbm>>)
        tpu.yield
      }) : () -> ()
    } else {
    }
    %eq3A_37 = arith.constant 1 : i32
    %eq3A_38 = arith.cmpi eq, %arg0, %eq3A_37 : i32
    %convert_element_type3A_39 = arith.extui %eq3A_38 : i1 to i32
    %cond3A_40 = arith.constant 0 : i32
    %cond3A_41 = arith.cmpi ne, %convert_element_type3A_39, %cond3A_40 : i32
    scf.if %cond3A_41 {
      %mul3A_42 = arith.constant 632 : i32
      %mul3A_43 = arith.muli %arg1, %mul3A_42 : i32
      %mul3A_44 = arith.constant 632 : i32
      %mul3A_45 = arith.muli %arg1, %mul3A_44 : i32
      "tpu.region"() ({
        %run_scoped3A = tpu.sem_alloc : memref<!tpu.dma_semaphore, #tpu.memory_space<semaphore_mem>>
        %dma_start3A = arith.constant 0 : i32
        %dma_start3A_46 = tpu.memref_slice %arg6[%mul3A_45, %dma_start3A] : memref<10112x128xf32, #tpu.memory_space<hbm>> -> memref<632x128xf32, #tpu.memory_space<hbm>>
        %dma_start3A_47 = arith.constant 0 : i32
        %dma_start3A_48 = tpu.memref_slice %arg11[%mul3A_43, %dma_start3A_47] : memref<10112x128xf32, #tpu.memory_space<vmem_shared>> -> memref<632x128xf32, #tpu.memory_space<vmem_shared>>
        tpu.enqueue_dma source(%dma_start3A_48 : memref<632x128xf32, #tpu.memory_space<vmem_shared>>) target(%dma_start3A_46 : memref<632x128xf32, #tpu.memory_space<hbm>>) target_semaphore(%run_scoped3A : memref<!tpu.dma_semaphore, #tpu.memory_space<semaphore_mem>>)
        %dma_wait3A = arith.constant 0 : i32
        %dma_wait3A_49 = tpu.memref_slice %arg6[%mul3A_45, %dma_wait3A] : memref<10112x128xf32, #tpu.memory_space<hbm>> -> memref<632x128xf32, #tpu.memory_space<hbm>>
        %dma_wait3A_50 = arith.constant 0 : i32
        %dma_wait3A_51 = tpu.memref_slice %arg11[%mul3A_43, %dma_wait3A_50] : memref<10112x128xf32, #tpu.memory_space<vmem_shared>> -> memref<632x128xf32, #tpu.memory_space<vmem_shared>>
        tpu.wait_dma2 semaphore(%run_scoped3A : memref<!tpu.dma_semaphore, #tpu.memory_space<semaphore_mem>>) src(%dma_wait3A_51 : memref<632x128xf32, #tpu.memory_space<vmem_shared>>) dst(%dma_wait3A_49 : memref<632x128xf32, #tpu.memory_space<hbm>>)
        tpu.yield
      }) : () -> ()
    } else {
    }
    return
  }
}

module attributes {stable_mosaic.version = 14 : i64} {
  func.func @_tc1a_body(%arg0: i32, %arg1: memref<1000x128xf32, #tpu.memory_space<vmem>>, %arg2: memref<128x128xf32, #tpu.memory_space<vmem>>, %arg3: memref<1000x128xf32, #tpu.memory_space<vmem>>) attributes {dimension_semantics = [#tpu.dimension_semantics<arbitrary>], iteration_bounds = array<i64: 10>, scalar_prefetch = 0 : i64, scratch_operands = 0 : i64, tpu.core_type = #tpu.core_type<tc>, window_params = [{transform_indices = @transform_0, window_bounds = array<i64: 1000, 128>}, {pipeline_mode = #tpu.pipeline_mode<synchronous>, transform_indices = @transform_1, window_bounds = array<i64: 128, 128>}, {transform_indices = @transform_2, window_bounds = array<i64: 1000, 128>}]} {
    %get3A = arith.constant 0 : index
    %get3A_0 = arith.constant 0 : index
    %get3A_1 = vector.load %arg1[%get3A, %get3A_0] : memref<1000x128xf32, #tpu.memory_space<vmem>>, vector<1000x128xf32>
    %get3A_2 = arith.constant 0 : index
    %get3A_3 = arith.constant 0 : index
    %get3A_4 = vector.load %arg2[%get3A_2, %get3A_3] : memref<128x128xf32, #tpu.memory_space<vmem>>, vector<128x128xf32>
    %dot_general3A = arith.constant dense<0.000000e+00> : vector<1000x128xf32>
    %dot_general3A_5 = tpu.matmul %get3A_1, %get3A_4, %dot_general3A {dimension_numbers = #tpu.dot_dimension_numbers<[1], [0], [0], [1], [0, 0, 1, 1], [], []>, precision = #tpu.contract_precision<fp32>, transpose_lhs_hint = false} : vector<1000x128xf32>, vector<128x128xf32>, vector<1000x128xf32> -> vector<1000x128xf32>
    %swap3A = arith.constant 0 : index
    %swap3A_6 = arith.constant 0 : index
    %swap3A_7 = vector.load %arg3[%swap3A, %swap3A_6] : memref<1000x128xf32, #tpu.memory_space<vmem>>, vector<1000x128xf32>
    tpu.vector_store %arg3[%swap3A, %swap3A_6], %dot_general3A_5 {strides = array<i32>} : memref<1000x128xf32, #tpu.memory_space<vmem>>, vector<1000x128xf32>,
    return
  }
  func.func @transform_0(%arg0: i32) -> (i32, i32) {
    %c0_i32 = arith.constant 0 : i32
    %c0_i32_0 = arith.constant 0 : i32
    return %arg0, %c0_i32 : i32, i32
  }
  func.func @transform_1(%arg0: i32) -> (i32, i32) {
    %c0_i32 = arith.constant 0 : i32
    %c0_i32_0 = arith.constant 0 : i32
    %c0_i32_1 = arith.constant 0 : i32
    return %c0_i32, %c0_i32_0 : i32, i32
  }
  func.func @transform_2(%arg0: i32) -> (i32, i32) {
    %c0_i32 = arith.constant 0 : i32
    %c0_i32_0 = arith.constant 0 : i32
    return %arg0, %c0_i32 : i32, i32
  }
}

module attributes {stable_mosaic.version = 14 : i64} {
  func.func @_tc1b_body(%arg0: i32, %arg1: memref<1000x16xf32, #tpu.memory_space<vmem>>, %arg2: memref<1000x16xf32, #tpu.memory_space<vmem>>, %arg3: memref<1000x128xf32, #tpu.memory_space<vmem>>, %arg4: memref<1000x128xf32, #tpu.memory_space<vmem>>, %arg5: memref<1000x1xf32, #tpu.memory_space<vmem>>) attributes {dimension_semantics = [#tpu.dimension_semantics<arbitrary>], iteration_bounds = array<i64: 10>, scalar_prefetch = 0 : i64, scratch_operands = 0 : i64, tpu.core_type = #tpu.core_type<tc>, window_params = [{transform_indices = @transform_0, window_bounds = array<i64: 1000, 16>}, {transform_indices = @transform_1, window_bounds = array<i64: 1000, 16>}, {transform_indices = @transform_2, window_bounds = array<i64: 1000, 128>}, {transform_indices = @transform_3, window_bounds = array<i64: 1000, 128>}, {transform_indices = @transform_4, window_bounds = array<i64: 1000, 1>}]} {
    %get3A = arith.constant 0 : index
    %get3A_0 = arith.constant 0 : index
    %get3A_1 = vector.load %arg1[%get3A, %get3A_0] : memref<1000x16xf32, #tpu.memory_space<vmem>>, vector<1000x1xf32>
    %add3A = arith.constant 1.000000e+00 : f32
    %add3A_2 = vector.broadcast %add3A : f32 to vector<1000x1xf32>
    %add3A_3 = arith.addf %add3A_2, %get3A_1 : vector<1000x1xf32>
    %get3A_4 = arith.constant 0 : index
    %get3A_5 = arith.constant 0 : index
    %get3A_6 = vector.load %arg2[%get3A_4, %get3A_5] : memref<1000x16xf32, #tpu.memory_space<vmem>>, vector<1000x1xf32>
    %add3A_7 = arith.addf %add3A_3, %get3A_6 : vector<1000x1xf32>
    %rsqrt3A = math.rsqrt %add3A_7 : vector<1000x1xf32>
    %get3A_8 = arith.constant 0 : index
    %get3A_9 = arith.constant 0 : index
    %get3A_10 = vector.load %arg3[%get3A_8, %get3A_9] : memref<1000x128xf32, #tpu.memory_space<vmem>>, vector<1000x128xf32>
    %mul3A = vector.broadcast %rsqrt3A : vector<1000x1xf32> to vector<1000x128xf32>
    %mul3A_11 = arith.mulf %get3A_10, %mul3A : vector<1000x128xf32>
    %swap3A = arith.constant 0 : index
    %swap3A_12 = arith.constant 0 : index
    %swap3A_13 = vector.load %arg4[%swap3A, %swap3A_12] : memref<1000x128xf32, #tpu.memory_space<vmem>>, vector<1000x128xf32>
    tpu.vector_store %arg4[%swap3A, %swap3A_12], %mul3A_11 {strides = array<i32>} : memref<1000x128xf32, #tpu.memory_space<vmem>>, vector<1000x128xf32>,
    %swap3A_14 = arith.constant 0 : index
    %swap3A_15 = arith.constant 0 : index
    %swap3A_16 = vector.load %arg5[%swap3A_14, %swap3A_15] : memref<1000x1xf32, #tpu.memory_space<vmem>>, vector<1000x1xf32>
    tpu.vector_store %arg5[%swap3A_14, %swap3A_15], %rsqrt3A {strides = array<i32>} : memref<1000x1xf32, #tpu.memory_space<vmem>>, vector<1000x1xf32>,
    return
  }
  func.func @transform_0(%arg0: i32) -> (i32, i32) {
    %c0_i32 = arith.constant 0 : i32
    %c0_i32_0 = arith.constant 0 : i32
    return %arg0, %c0_i32 : i32, i32
  }
  func.func @transform_1(%arg0: i32) -> (i32, i32) {
    %c0_i32 = arith.constant 0 : i32
    %c0_i32_0 = arith.constant 0 : i32
    return %arg0, %c0_i32 : i32, i32
  }
  func.func @transform_2(%arg0: i32) -> (i32, i32) {
    %c0_i32 = arith.constant 0 : i32
    %c0_i32_0 = arith.constant 0 : i32
    return %arg0, %c0_i32 : i32, i32
  }
  func.func @transform_3(%arg0: i32) -> (i32, i32) {
    %c0_i32 = arith.constant 0 : i32
    %c0_i32_0 = arith.constant 0 : i32
    return %arg0, %c0_i32 : i32, i32
  }
  func.func @transform_4(%arg0: i32) -> (i32, i32) {
    %c0_i32 = arith.constant 0 : i32
    %c0_i32_0 = arith.constant 0 : i32
    return %arg0, %c0_i32 : i32, i32
  }
}

module attributes {stable_mosaic.version = 14 : i64} {
  func.func @_tc2_body(%arg0: i32, %arg1: memref<1000x128xf32, #tpu.memory_space<vmem>>, %arg2: memref<1000x128xf32, #tpu.memory_space<vmem>>, %arg3: memref<1000x128xf32, #tpu.memory_space<vmem>>, %arg4: memref<1000x1xf32, #tpu.memory_space<vmem>>, %arg5: memref<1x128xf32, #tpu.memory_space<vmem>>, %arg6: memref<128x128xf32, #tpu.memory_space<vmem>>, %arg7: memref<1000x128xf32, #tpu.memory_space<vmem>>) attributes {dimension_semantics = [#tpu.dimension_semantics<arbitrary>], iteration_bounds = array<i64: 10>, scalar_prefetch = 0 : i64, scratch_operands = 0 : i64, tpu.core_type = #tpu.core_type<tc>, window_params = [{transform_indices = @transform_0, window_bounds = array<i64: 1000, 128>}, {transform_indices = @transform_1, window_bounds = array<i64: 1000, 128>}, {transform_indices = @transform_2, window_bounds = array<i64: 1000, 128>}, {transform_indices = @transform_3, window_bounds = array<i64: 1000, 1>}, {pipeline_mode = #tpu.pipeline_mode<synchronous>, transform_indices = @transform_4, window_bounds = array<i64: 1, 128>}, {pipeline_mode = #tpu.pipeline_mode<synchronous>, transform_indices = @transform_5, window_bounds = array<i64: 128, 128>}, {transform_indices = @transform_6, window_bounds = array<i64: 1000, 128>}]} {
    %get3A = arith.constant 0 : index
    %get3A_0 = arith.constant 0 : index
    %get3A_1 = vector.load %arg1[%get3A, %get3A_0] : memref<1000x128xf32, #tpu.memory_space<vmem>>, vector<1000x128xf32>
    %get3A_2 = arith.constant 0 : index
    %get3A_3 = arith.constant 0 : index
    %get3A_4 = vector.load %arg2[%get3A_2, %get3A_3] : memref<1000x128xf32, #tpu.memory_space<vmem>>, vector<1000x128xf32>
    %add3A = arith.addf %get3A_1, %get3A_4 : vector<1000x128xf32>
    %get3A_5 = arith.constant 0 : index
    %get3A_6 = arith.constant 0 : index
    %get3A_7 = vector.load %arg3[%get3A_5, %get3A_6] : memref<1000x128xf32, #tpu.memory_space<vmem>>, vector<1000x128xf32>
    %add3A_8 = arith.addf %add3A, %get3A_7 : vector<1000x128xf32>
    %get3A_9 = arith.constant 0 : index
    %get3A_10 = arith.constant 0 : index
    %get3A_11 = vector.load %arg4[%get3A_9, %get3A_10] : memref<1000x1xf32, #tpu.memory_space<vmem>>, vector<1000x1xf32>
    %mul3A = vector.broadcast %get3A_11 : vector<1000x1xf32> to vector<1000x128xf32>
    %mul3A_12 = arith.mulf %add3A_8, %mul3A : vector<1000x128xf32>
    %get3A_13 = arith.constant 0 : index
    %get3A_14 = arith.constant 0 : index
    %get3A_15 = vector.load %arg5[%get3A_13, %get3A_14] : memref<1x128xf32, #tpu.memory_space<vmem>>, vector<1x128xf32>
    %add3A_16 = vector.broadcast %get3A_15 : vector<1x128xf32> to vector<1000x128xf32>
    %add3A_17 = arith.addf %mul3A_12, %add3A_16 : vector<1000x128xf32>
    %max3A = arith.constant 0.000000e+00 : f32
    %max3A_18 = vector.broadcast %max3A : f32 to vector<1000x128xf32>
    %max3A_19 = arith.maximumf %add3A_17, %max3A_18 : vector<1000x128xf32>
    %get3A_20 = arith.constant 0 : index
    %get3A_21 = arith.constant 0 : index
    %get3A_22 = vector.load %arg6[%get3A_20, %get3A_21] : memref<128x128xf32, #tpu.memory_space<vmem>>, vector<128x128xf32>
    %dot_general3A = arith.constant dense<0.000000e+00> : vector<1000x128xf32>
    %dot_general3A_23 = tpu.matmul %max3A_19, %get3A_22, %dot_general3A {dimension_numbers = #tpu.dot_dimension_numbers<[1], [0], [0], [1], [0, 0, 1, 1], [], []>, precision = #tpu.contract_precision<fp32>, transpose_lhs_hint = false} : vector<1000x128xf32>, vector<128x128xf32>, vector<1000x128xf32> -> vector<1000x128xf32>
    %get3A_24 = arith.constant 0 : index
    %get3A_25 = arith.constant 0 : index
    %get3A_26 = vector.load %arg4[%get3A_24, %get3A_25] : memref<1000x1xf32, #tpu.memory_space<vmem>>, vector<1000x1xf32>
    %mul3A_27 = vector.broadcast %get3A_26 : vector<1000x1xf32> to vector<1000x128xf32>
    %mul3A_28 = arith.mulf %dot_general3A_23, %mul3A_27 : vector<1000x128xf32>
    %swap3A = arith.constant 0 : index
    %swap3A_29 = arith.constant 0 : index
    %swap3A_30 = vector.load %arg7[%swap3A, %swap3A_29] : memref<1000x128xf32, #tpu.memory_space<vmem>>, vector<1000x128xf32>
    tpu.vector_store %arg7[%swap3A, %swap3A_29], %mul3A_28 {strides = array<i32>} : memref<1000x128xf32, #tpu.memory_space<vmem>>, vector<1000x128xf32>,
    return
  }
  func.func @transform_0(%arg0: i32) -> (i32, i32) {
    %c0_i32 = arith.constant 0 : i32
    %c0_i32_0 = arith.constant 0 : i32
    return %arg0, %c0_i32 : i32, i32
  }
  func.func @transform_1(%arg0: i32) -> (i32, i32) {
    %c0_i32 = arith.constant 0 : i32
    %c0_i32_0 = arith.constant 0 : i32
    return %arg0, %c0_i32 : i32, i32
  }
  func.func @transform_2(%arg0: i32) -> (i32, i32) {
    %c0_i32 = arith.constant 0 : i32
    %c0_i32_0 = arith.constant 0 : i32
    return %arg0, %c0_i32 : i32, i32
  }
  func.func @transform_3(%arg0: i32) -> (i32, i32) {
    %c0_i32 = arith.constant 0 : i32
    %c0_i32_0 = arith.constant 0 : i32
    return %arg0, %c0_i32 : i32, i32
  }
  func.func @transform_4(%arg0: i32) -> (i32, i32) {
    %c0_i32 = arith.constant 0 : i32
    %c0_i32_0 = arith.constant 0 : i32
    %c0_i32_1 = arith.constant 0 : i32
    return %c0_i32, %c0_i32_0 : i32, i32
  }
  func.func @transform_5(%arg0: i32) -> (i32, i32) {
    %c0_i32 = arith.constant 0 : i32
    %c0_i32_0 = arith.constant 0 : i32
    %c0_i32_1 = arith.constant 0 : i32
    return %c0_i32, %c0_i32_0 : i32, i32
  }
  func.func @transform_6(%arg0: i32) -> (i32, i32) {
    %c0_i32 = arith.constant 0 : i32
    %c0_i32_0 = arith.constant 0 : i32
    return %arg0, %c0_i32 : i32, i32
  }
}

module attributes {stable_mosaic.version = 14 : i64} {
  func.func @_tc3_body(%arg0: i32, %arg1: memref<1000x128xf32, #tpu.memory_space<vmem>>, %arg2: memref<1000x128xf32, #tpu.memory_space<vmem>>, %arg3: memref<1000x128xf32, #tpu.memory_space<vmem>>, %arg4: memref<1000x1xf32, #tpu.memory_space<vmem>>, %arg5: memref<1x128xf32, #tpu.memory_space<vmem>>, %arg6: memref<1x1x1000xi32, #tpu.memory_space<vmem>>, %arg7: memref<64x128xf32, #tpu.memory_space<vmem>>, %arg8: memref<64x128xf32, #tpu.memory_space<vmem>>, %arg9: memref<64x128xf32, #tpu.memory_space<vmem>>) attributes {dimension_semantics = [#tpu.dimension_semantics<arbitrary>], iteration_bounds = array<i64: 10>, scalar_prefetch = 0 : i64, scratch_operands = 2 : i64, tpu.core_type = #tpu.core_type<tc>, window_params = [{transform_indices = @transform_0, window_bounds = array<i64: 1000, 128>}, {transform_indices = @transform_1, window_bounds = array<i64: 1000, 128>}, {transform_indices = @transform_2, window_bounds = array<i64: 1000, 128>}, {transform_indices = @transform_3, window_bounds = array<i64: 1000, 1>}, {pipeline_mode = #tpu.pipeline_mode<synchronous>, transform_indices = @transform_4, window_bounds = array<i64: 1, 128>}, {transform_indices = @transform_5, window_bounds = array<i64: 1, 1, 1000>}, {pipeline_mode = #tpu.pipeline_mode<synchronous>, transform_indices = @transform_6, window_bounds = array<i64: 64, 128>}]} {
    %eq3A = arith.constant 0 : i32
    %eq3A_0 = arith.cmpi eq, %arg0, %eq3A : i32
    %convert_element_type3A = arith.extui %eq3A_0 : i1 to i32
    %cond3A = arith.constant 0 : i32
    %cond3A_1 = arith.cmpi ne, %convert_element_type3A, %cond3A : i32
    scf.if %cond3A_1 {
      %broadcast_in_dim3A_50 = arith.constant 0.000000e+00 : f32
      %broadcast_in_dim3A_51 = vector.broadcast %broadcast_in_dim3A_50 : f32 to vector<64x128xf32>
      %swap3A_52 = arith.constant 0 : index
      %swap3A_53 = arith.constant 0 : index
      %swap3A_54 = vector.load %arg8[%swap3A_52, %swap3A_53] : memref<64x128xf32, #tpu.memory_space<vmem>>, vector<64x128xf32>
      tpu.vector_store %arg8[%swap3A_52, %swap3A_53], %broadcast_in_dim3A_51 {strides = array<i32>} : memref<64x128xf32, #tpu.memory_space<vmem>>, vector<64x128xf32>,
      %broadcast_in_dim3A_55 = arith.constant 0.000000e+00 : f32
      %broadcast_in_dim3A_56 = vector.broadcast %broadcast_in_dim3A_55 : f32 to vector<64x128xf32>
      %swap3A_57 = arith.constant 0 : index
      %swap3A_58 = arith.constant 0 : index
      %swap3A_59 = vector.load %arg9[%swap3A_57, %swap3A_58] : memref<64x128xf32, #tpu.memory_space<vmem>>, vector<64x128xf32>
      tpu.vector_store %arg9[%swap3A_57, %swap3A_58], %broadcast_in_dim3A_56 {strides = array<i32>} : memref<64x128xf32, #tpu.memory_space<vmem>>, vector<64x128xf32>,
    } else {
    }
    %get3A = arith.constant 0 : index
    %get3A_2 = arith.constant 0 : index
    %get3A_3 = vector.load %arg1[%get3A, %get3A_2] : memref<1000x128xf32, #tpu.memory_space<vmem>>, vector<1000x128xf32>
    %get3A_4 = arith.constant 0 : index
    %get3A_5 = arith.constant 0 : index
    %get3A_6 = vector.load %arg2[%get3A_4, %get3A_5] : memref<1000x128xf32, #tpu.memory_space<vmem>>, vector<1000x128xf32>
    %add3A = arith.addf %get3A_3, %get3A_6 : vector<1000x128xf32>
    %get3A_7 = arith.constant 0 : index
    %get3A_8 = arith.constant 0 : index
    %get3A_9 = vector.load %arg3[%get3A_7, %get3A_8] : memref<1000x128xf32, #tpu.memory_space<vmem>>, vector<1000x128xf32>
    %add3A_10 = arith.addf %add3A, %get3A_9 : vector<1000x128xf32>
    %get3A_11 = arith.constant 0 : index
    %get3A_12 = arith.constant 0 : index
    %get3A_13 = vector.load %arg4[%get3A_11, %get3A_12] : memref<1000x1xf32, #tpu.memory_space<vmem>>, vector<1000x1xf32>
    %mul3A = vector.broadcast %get3A_13 : vector<1000x1xf32> to vector<1000x128xf32>
    %mul3A_14 = arith.mulf %add3A_10, %mul3A : vector<1000x128xf32>
    %get3A_15 = arith.constant 0 : index
    %get3A_16 = arith.constant 0 : index
    %get3A_17 = vector.load %arg5[%get3A_15, %get3A_16] : memref<1x128xf32, #tpu.memory_space<vmem>>, vector<1x128xf32>
    %add3A_18 = vector.broadcast %get3A_17 : vector<1x128xf32> to vector<1000x128xf32>
    %add3A_19 = arith.addf %mul3A_14, %add3A_18 : vector<1000x128xf32>
    %get3A_20 = arith.constant 0 : index
    %get3A_21 = arith.constant 0 : index
    %get3A_22 = arith.constant 0 : index
    %get3A_23 = vector.load %arg6[%get3A_20, %get3A_21, %get3A_22] : memref<1x1x1000xi32, #tpu.memory_space<vmem>>, vector<1x1x1000xi32>
    %get3A_24 = vector.shape_cast %get3A_23 : vector<1x1x1000xi32> to vector<1x1000xi32>
    %iota3A = tpu.iota {dimensions = array<i32: 0>} : vector<64x1000xi32>
    %eq3A_25 = vector.broadcast %get3A_24 : vector<1x1000xi32> to vector<64x1000xi32>
    %eq3A_26 = arith.cmpi eq, %iota3A, %eq3A_25 : vector<64x1000xi32>
    %convert_element_type3A_27 = arith.extui %eq3A_26 : vector<64x1000xi1> to vector<64x1000xi32>
    %convert_element_type3A_28 = arith.sitofp %convert_element_type3A_27 : vector<64x1000xi32> to vector<64x1000xf32>
    %get3A_29 = arith.constant 0 : index
    %get3A_30 = arith.constant 0 : index
    %get3A_31 = vector.load %arg8[%get3A_29, %get3A_30] : memref<64x128xf32, #tpu.memory_space<vmem>>, vector<64x128xf32>
    %dot_general3A = arith.constant dense<0.000000e+00> : vector<64x128xf32>
    %dot_general3A_32 = tpu.matmul %convert_element_type3A_28, %add3A_19, %dot_general3A {dimension_numbers = #tpu.dot_dimension_numbers<[1], [0], [0], [1], [0, 0, 1, 1], [], []>, precision = #tpu.contract_precision<fp32>, transpose_lhs_hint = false} : vector<64x1000xf32>, vector<1000x128xf32>, vector<64x128xf32> -> vector<64x128xf32>
    %add3A_33 = arith.addf %get3A_31, %dot_general3A_32 : vector<64x128xf32>
    %swap3A = arith.constant 0 : index
    %swap3A_34 = arith.constant 0 : index
    %swap3A_35 = vector.load %arg8[%swap3A, %swap3A_34] : memref<64x128xf32, #tpu.memory_space<vmem>>, vector<64x128xf32>
    tpu.vector_store %arg8[%swap3A, %swap3A_34], %add3A_33 {strides = array<i32>} : memref<64x128xf32, #tpu.memory_space<vmem>>, vector<64x128xf32>,
    %get3A_36 = arith.constant 0 : index
    %get3A_37 = arith.constant 0 : index
    %get3A_38 = vector.load %arg9[%get3A_36, %get3A_37] : memref<64x128xf32, #tpu.memory_space<vmem>>, vector<64x128xf32>
    %reduce_sum3A = arith.constant dense<0.000000e+00> : vector<64xf32>
    %reduce_sum3A_39 = vector.multi_reduction <add>, %convert_element_type3A_28, %reduce_sum3A [1] : vector<64x1000xf32> to vector<64xf32>
    %broadcast_in_dim3A = vector.shape_cast %reduce_sum3A_39 : vector<64xf32> to vector<64x1xf32>
    %add3A_40 = vector.broadcast %broadcast_in_dim3A : vector<64x1xf32> to vector<64x128xf32>
    %add3A_41 = arith.addf %get3A_38, %add3A_40 : vector<64x128xf32>
    %swap3A_42 = arith.constant 0 : index
    %swap3A_43 = arith.constant 0 : index
    %swap3A_44 = vector.load %arg9[%swap3A_42, %swap3A_43] : memref<64x128xf32, #tpu.memory_space<vmem>>, vector<64x128xf32>
    tpu.vector_store %arg9[%swap3A_42, %swap3A_43], %add3A_41 {strides = array<i32>} : memref<64x128xf32, #tpu.memory_space<vmem>>, vector<64x128xf32>,
    %eq3A_45 = arith.constant 9 : i32
    %eq3A_46 = arith.cmpi eq, %arg0, %eq3A_45 : i32
    %convert_element_type3A_47 = arith.extui %eq3A_46 : i1 to i32
    %cond3A_48 = arith.constant 0 : i32
    %cond3A_49 = arith.cmpi ne, %convert_element_type3A_47, %cond3A_48 : i32
    scf.if %cond3A_49 {
      %get3A_50 = arith.constant 0 : index
      %get3A_51 = arith.constant 0 : index
      %get3A_52 = vector.load %arg8[%get3A_50, %get3A_51] : memref<64x128xf32, #tpu.memory_space<vmem>>, vector<64x128xf32>
      %get3A_53 = arith.constant 0 : index
      %get3A_54 = arith.constant 0 : index
      %get3A_55 = vector.load %arg9[%get3A_53, %get3A_54] : memref<64x128xf32, #tpu.memory_space<vmem>>, vector<64x128xf32>
      %max3A = arith.constant 1.000000e+00 : f32
      %max3A_56 = vector.broadcast %max3A : f32 to vector<64x128xf32>
      %max3A_57 = arith.maximumf %get3A_55, %max3A_56 : vector<64x128xf32>
      %div3A = arith.divf %get3A_52, %max3A_57 : vector<64x128xf32>
      %swap3A_58 = arith.constant 0 : index
      %swap3A_59 = arith.constant 0 : index
      %swap3A_60 = vector.load %arg7[%swap3A_58, %swap3A_59] : memref<64x128xf32, #tpu.memory_space<vmem>>, vector<64x128xf32>
      tpu.vector_store %arg7[%swap3A_58, %swap3A_59], %div3A {strides = array<i32>} : memref<64x128xf32, #tpu.memory_space<vmem>>, vector<64x128xf32>,
    } else {
    }
    return
  }
  func.func @transform_0(%arg0: i32) -> (i32, i32) {
    %c0_i32 = arith.constant 0 : i32
    %c0_i32_0 = arith.constant 0 : i32
    return %arg0, %c0_i32 : i32, i32
  }
  func.func @transform_1(%arg0: i32) -> (i32, i32) {
    %c0_i32 = arith.constant 0 : i32
    %c0_i32_0 = arith.constant 0 : i32
    return %arg0, %c0_i32 : i32, i32
  }
  func.func @transform_2(%arg0: i32) -> (i32, i32) {
    %c0_i32 = arith.constant 0 : i32
    %c0_i32_0 = arith.constant 0 : i32
    return %arg0, %c0_i32 : i32, i32
  }
  func.func @transform_3(%arg0: i32) -> (i32, i32) {
    %c0_i32 = arith.constant 0 : i32
    %c0_i32_0 = arith.constant 0 : i32
    return %arg0, %c0_i32 : i32, i32
  }
  func.func @transform_4(%arg0: i32) -> (i32, i32) {
    %c0_i32 = arith.constant 0 : i32
    %c0_i32_0 = arith.constant 0 : i32
    %c0_i32_1 = arith.constant 0 : i32
    return %c0_i32, %c0_i32_0 : i32, i32
  }
  func.func @transform_5(%arg0: i32) -> (i32, i32, i32) {
    %c0_i32 = arith.constant 0 : i32
    %c0_i32_0 = arith.constant 0 : i32
    %c0_i32_1 = arith.constant 0 : i32
    return %arg0, %c0_i32, %c0_i32_0 : i32, i32, i32
  }
  func.func @transform_6(%arg0: i32) -> (i32, i32) {
    %c0_i32 = arith.constant 0 : i32
    %c0_i32_0 = arith.constant 0 : i32
    %c0_i32_1 = arith.constant 0 : i32
    return %c0_i32, %c0_i32_0 : i32, i32
  }
}

</mosaic_0001>

<sc_bundles>
// kernel: kernel.12.cloned.1.call-start
scs
__scs_entry_jumppad:
0x0: {  	(pc) =	sbr.rel $0x88, $3  }
0x1: {  	(tag) =	ssettag $0x0;
	lr =	simm.s32 $0x1  }
0x2: {  	[smem:$0x3F9A] =	sst lr;
	_ =	strace $0xD0000000  }
0x3: {  	_ = 	snop  }
0x4: {  	_ = 	snop  }
0x5: {  	_ = 	snop  }
0x6: {  	_ = 	snop  }
0x7: {  	_ = 	snop  }
__scs_overlays_trampoline_lowered:
0x8: {  	[smem:$0x3FA9] =	sst s0  }
0x9: {  	[smem:$0x3FAA] =	sst s1  }
0xa: {  	[smem:$0x3FAB] =	sst s2  }
0xb: {  	[smem:$0x3FAC] =	sst s3  }
0xc: {  	[smem:$0x3FAD] =	sst s4  }
0xd: {  	[smem:$0x3FAE] =	sst s5  }
0xe: {  	[smem:$0x3FAF] =	sst s6  }
0xf: {  	[smem:$0x3FB0] =	sst s7  }
0x10: {  	[smem:$0x3FB1] =	sst s8  }
0x11: {  	[smem:$0x3FB2] =	sst s9;
	s0 =	simm.s32 @!p0 $0x0  }
0x12: {  	s1 =	sld [smem:$0x3F98];
	s0 =	simm.s32 @p0 $0x1  }
0x13: {  	[smem:$0x3FB3] =	sst s0;
	s0 =	simm.s32 @!p1 $0x0  }
0x14: {  	s2 =	sld [smem:$0x3F97];
	s0 =	simm.s32 @p1 $0x1  }
0x15: {  	[smem:$0x3FB4] =	sst s0;
	s0 =	simm.s32 @!p2 $0x0  }
0x16: {  	s3 =	sld [smem:$0x3FDB];
	s0 =	simm.s32 @p2 $0x1  }
0x17: {  	s4 =	simm.s32 $0x1BF5;
	[smem:$0x3FB6] =	sst s0  }
0x18: {  	s0 =	sld [smem:$0x3F99];
	_ =	swait.ge [sflag:s4], $0x0  }
0x19: {  	s7 =	sld [smem:$0x3F9A]  }
0x1a: {  	s8 =	sadd.s32 $0xFFFFE003, lr  }
0x1b: {  	s9 =	sadd.s32 $0xFFFFFEF7, lr;
	s5 =	simm.s32 $0xFFFFFFFF;
	p2 =	slt.u32 s8, $0xFFFFF086  }
0x1c: {  	p1 =	slt.u32 s9, $0xF7A;
	s5 =	simm.s32 @!p2 $0x0  }
0x1d: {  	s5 =	simm.s32 @p1 $0x1;
	p0 =	seq.s32 s7, s2  }
0x1e: {  	s7 =	smul.u32 @!p0 $0xF7A, s2;
	p2 =	seq.s32 @!p0 s5, $0x0  }
0x1f: {  	s9 =	smul.u32 $0xF7A, s1;
	s8 =	simm.s32 @!p0 $0x1BF5;
	p2 =	por !p2, p0  }
0x20: {  	[sflag:s8] =	ssyncset.s32 @!p0 $0xFFFFF086;
	s6 =	sadd.s32 @!p0 s3, s7;
	s7 =	simm.s32 @!p0 $0x108  }
0x21: {  	s3 =	sadd.s32 s3, s9;
	s6 =	sadd.s32 @!p0 $0x88, s6;
	s7 =	simm.s32 @p2 $0x1082  }
0x22: {  	[simem:s7], [sflag:s8] =	dma.local @!p0 [hbm:s6], $0xF7A  }
0x23: {  	s9 =	sor.u32 $0xD0000000, s2;
	s6 =	simm.s32 $0x108;
	_ =	swait.ge @!p0 [sflag:s8], $0x0  }
0x24: {  	s3 =	sadd.s32 $0x88, s3;
	s6 =	simm.s32 @!p1 $0x1082;
	[sflag:s4] =	ssyncset.s32 $0xFFFFF086  }
0x25: {  	[simem:s6], [sflag:s4] =	dma.local [hbm:s3], $0xF7A  }
0x26: {  	[smem:$0x3F9A] =	sst s1;
	(tag) =	ssettag s2;
	_ =	strace s9  }
0x27: {  	s1 =	sld [smem:$0x3FAA]  }
0x28: {  	s2 =	sld [smem:$0x3FAB]  }
0x29: {  	s4 =	sld [smem:$0x3FAD]  }
0x2a: {  	p0 =	seq.s32 s5, $0x0;
	s5 =	sld [smem:$0x3FAE]  }
0x2b: {  	s6 =	sld [smem:$0x3FAF]  }
0x2c: {  	s7 =	sld [smem:$0x3FB0]  }
0x2d: {  	s3 =	simm.s32 $0x108;
	s8 =	sld [smem:$0x3FB1]  }
0x2e: {  	s3 =	simm.s32 @!p0 $0x1082;
	s9 =	sld [smem:$0x3FB2]  }
0x2f: {  	lr =	sadd.s32 s0, s3;
	s0 =	sld [smem:$0x3FA9]  }
0x30: {  	s3 =	sld [smem:$0x3FAC]  }
0x31: {  	[smem:$0x3FB5] =	sst s10  }
0x32: {  	s10 =	sld [smem:$0x3FB3];
	_ =	sdelay $0x3  }
0x33: {  	p0 =	seq.s32 s10, $0x1;
	s10 =	sld [smem:$0x3FB5];
	_ =	sdelay $0x3  }
0x34: {  	[smem:$0x3FB5] =	sst s10  }
0x35: {  	s10 =	sld [smem:$0x3FB4];
	_ =	sdelay $0x3  }
0x36: {  	p1 =	seq.s32 s10, $0x1;
	s10 =	sld [smem:$0x3FB5];
	_ =	sdelay $0x3  }
0x37: {  	[smem:$0x3FB5] =	sst s10  }
0x38: {  	s10 =	sld [smem:$0x3FB6]  }
0x39: {  	_ = 	snop;
	(pc) =	sbr.ind lr, $3  }
0x3a: {  	_ = 	snop  }
0x3b: {  	_ = 	snop  }
0x3c: {  	p2 =	seq.s32 s10, $0x1;
	s10 =	sld [smem:$0x3FB5]  }
0x3d: {  	_ =	shalt  }
0x3e: {  	_ =	shalt  }
0x3f: {  	_ =	shalt  }
0x40: {  	_ =	shalt  }
0x41: {  	_ =	shalt  }
0x42: {  	_ =	shalt  }
0x43: {  	_ =	shalt  }
0x44: {  	_ =	shalt  }
0x45: {  	_ =	shalt  }
0x46: {  	_ =	shalt  }
0x47: {  	_ =	shalt  }
0x48: {  	_ =	shalt  }
0x49: {  	_ =	shalt  }
0x4a: {  	_ =	shalt  }
0x4b: {  	_ =	shalt  }
0x4c: {  	_ =	shalt  }
0x4d: {  	_ =	shalt  }
0x4e: {  	_ =	shalt  }
0x4f: {  	_ =	shalt  }
0x50: {  	_ =	shalt  }
0x51: {  	_ =	shalt  }
0x52: {  	_ =	shalt  }
0x53: {  	_ =	shalt  }
0x54: {  	_ =	shalt  }
0x55: {  	_ =	shalt  }
0x56: {  	_ =	shalt  }
0x57: {  	_ =	shalt  }
0x58: {  	_ =	shalt  }
0x59: {  	_ =	shalt  }
0x5a: {  	_ =	shalt  }
0x5b: {  	_ =	shalt  }
0x5c: {  	_ =	shalt  }
0x5d: {  	_ =	shalt  }
0x5e: {  	_ =	shalt  }
0x5f: {  	_ =	shalt  }
0x60: {  	_ =	shalt  }
0x61: {  	_ =	shalt  }
0x62: {  	_ =	shalt  }
0x63: {  	_ =	shalt  }
0x64: {  	_ =	shalt  }
0x65: {  	_ =	shalt  }
0x66: {  	_ =	shalt  }
0x67: {  	_ =	shalt  }
0x68: {  	_ =	shalt  }
0x69: {  	_ =	shalt  }
0x6a: {  	_ =	shalt  }
0x6b: {  	_ =	shalt  }
0x6c: {  	_ =	shalt  }
0x6d: {  	_ =	shalt  }
0x6e: {  	_ =	shalt  }
0x6f: {  	_ =	shalt  }
0x70: {  	_ =	shalt  }
0x71: {  	_ =	shalt  }
0x72: {  	_ =	shalt  }
0x73: {  	_ =	shalt  }
0x74: {  	_ =	shalt  }
0x75: {  	_ =	shalt  }
0x76: {  	_ =	shalt  }
0x77: {  	_ =	shalt  }
0x78: {  	_ =	shalt  }
0x79: {  	_ =	shalt  }
0x7a: {  	_ =	shalt  }
0x7b: {  	_ =	shalt  }
0x7c: {  	_ =	shalt  }
0x7d: {  	_ =	shalt  }
0x7e: {  	_ =	shalt  }
0x7f: {  	_ =	shalt  }
0x80: {  	_ =	shalt  }
0x81: {  	_ =	shalt  }
0x82: {  	_ =	shalt  }
0x83: {  	_ =	shalt  }
0x84: {  	_ =	shalt  }
0x85: {  	_ =	shalt  }
0x86: {  	_ =	shalt  }
0x87: {  	_ =	shalt  }
.Lfunc_end0:
.L_simem_size_0:
called_computation.1_lowered:
.L_overlay_start_0:
0x88: {  	s2 =	sld [smem:$0x3FD9]  }
0x89: {  	s3 =	sld [smem:$0x3FFE];
	_ =	sdelay $0x1  }
0x8a: {  	s1 =	srdreg.scid  }
0x8b: {  	s0 =	sand.u32 $0x1, s1  }
0x8c: {  	s16 =	sshll.u32 s0, $0xA;
	s2 =	sadd.s32 s3, s2  }
0x8d: {  	s2 =	sadd.s32 s2, s16  }
0x8e: {  	[smem:$0x3FC1] =	sst s2  }
0x8f: {  	_ = 	snop  }
0x90: {  	(tm) =	ssettm $0x1  }
0x91: {  	s17 =	sld [smem:$0x3FFB];
	_ =	sdelay $0x3  }
0x92: {  	_ =	strace s17  }
0x93: {  	s2 =	sld [smem:$0x3FFC];
	_ =	sdelay $0x3  }
0x94: {  	_ =	strace s2  }
0x95: {  	s2 =	sld [smem:$0x3FFD];
	_ =	sdelay $0x3  }
0x96: {  	_ =	strace s2  }
0x97: {  	_ =	strace $0x8FFFFFFF  }
0x98: {  	s18 =	sld [smem:$0x3FDB];
	_ =	sdelay $0x1  }
0x99: {  	s19 =	simm.s32 $_scs_section_size  }
0x9a: {  	s4 =	simm.s32 $_size__tile_overlayer_lowered;
	s5 =	simm.s32 $_tile_overlayer_lowered  }
0x9b: {  	s22 =	simm.s32 $0x1BFF;
	s21 =	sshll.u32 s5, $0x1;
	s2 =	sadd.s32 s19, s18  }
0x9c: {  	s6 =	simm.s32 $0x0;
	s20 =	sshll.u32 s4, $0x1;
	s4 =	sadd.s32 s21, s2  }
0x9d: {  	[timem:s6], [sflag:s22] =	dma.local [hbm:s4], s20  }
0x9e: {  	_ =	swait.ge [sflag:s22], s20  }
0x9f: {  	s3 =	ssub.s32 $0x0, s20;
	[sflag:s22] =	ssyncset.done $0x0  }
0xa0: {  	[sflag:s22] =	ssyncadd.s32 s3;
	_ =	sdelay $0x1  }
0xa1: {  	s23 =	simm.s32 $0x1B8B  }
0xa2: {  	_ =	swait.ge [sflag:s23], $0x1  }
0xa3: {  	[sflag:s23] =	ssyncset.done $0x0  }
0xa4: {  	s25 =	simm.s32 $0x1B8E;
	s24 =	sld [smem:$0x3FFE];
	[sflag:s23] =	ssyncadd.s32 $0xFFFFFFFF  }
0xa5: {  	s26 =	simm.s32 $execute0_lowered;
	[smem:$0x3FD2] =	sst s25  }
0xa6: {  	s4 =	sshll.u32 s26, $0x1;
	_ =	strace $0x80000049;
	[dreg:$0x1] =	wrdreg $0xFFFFFFFF  }
0xa7: {  	s28 =	simm.s32 $_size_execute0_lowered;
	s2 =	sadd.s32 s2, s4;
	[dreg:$0x0] =	wrdreg $0x0  }
0xa8: {  	s4 =	sshll.u32 s28, $0x1;
	[dreg:$0x2] =	wrdreg s2  }
0xa9: {  	[dreg:$0x3] =	wrdreg s4  }
0xaa: {  	[dreg:$0x4] =	wrdreg $0xC0  }
0xab: {  	_ =	task [dreg:s6], $0x5FFFF  }
0xac: {  	[dreg:$0x1] =	wrdreg $0xFFFFFFFF  }
0xad: {  	[dreg:$0x0] =	wrdreg $0x60  }
0xae: {  	[dreg:$0x2] =	wrdreg s24  }
0xaf: {  	[dreg:$0x3] =	wrdreg $0xC0000  }
0xb0: {  	[dreg:$0x4] =	wrdreg $0x9  }
0xb1: {  	_ =	task.clear_ibuf [dreg:s6], $0x5FFFF;
	_ =	strace $0x90000049  }
0xb2: {  	s29 =	simm.s32 $0x9;
	_ =	strace $0x8000004B  }
0xb3: {  	_ =	swait.ge [sflag:s29], $0x1  }
0xb4: {  	[sflag:s29] =	ssyncadd.s32 $0xFFFFFFFF  }
0xb5: {  	_ =	strace $0x9000004B  }
0xb6: {  	_ =	sfence  }
0xb7: {  	s30 =	sld [smem:$0x0];
	_ =	sdelay $0x2  }
0xb8: {  	s31 =	sshll.u32 s1, $0xD;
	s1 =	sshrl.u32 s1, $0x2  }
0xb9: {  	s3 =	sand.u32 $0x4000, s31;
	s1 =	sadd.s32 s1, s30  }
0xba: {  	s0 =	sor.u32 s3, s0;
	s1 =	sshll.u32 s1, $0x11  }
0xbb: {  	s0 =	sor.u32 s1, s0  }
0xbc: {  	s0 =	sadd.s32 $0x8F2B, s0  }
0xbd: {  	[sflag:s0] =	ssyncadd.remote.s32 $0x1  }
0xbe: {  	_ =	sfence.sel $0xFFFF  }
0xbf: {  	[dreg:$0x0] =	wrdreg $0xFFFFFFFF;
	(pc) =	sbr.abs _section_cstart, $3  }
0xc0: {  	[dreg:$0x1] =	wrdreg $0xFFFFFFFF  }
0xc1: {  	_ =	task.clear_ibuf [dreg:s6], $0x2FFFF;
	_ =	strace $0x9FFFFFFF  }
0xc2: {  	(tm) =	ssettm $0x7FFFFFFF  }
0xc3: {  	_ =	shalt  }
tec
execute0_lowered:
.L_overlay_start_1:
0x0: {  	(tag) =	ssettag $0x1  }
0x1: {  	s6 =	rddreg [dreg:$0x0]  }
0x2: {  	s1 =	rddreg [dreg:$0x1]  }
0x3: {  	s0 =	rddreg [dreg:$0x2]  }
0x4: {  	s2 =	simm.s32 $0x0;
	s5 =	srdreg.scid;
	s3 =	stileid.u32  }
0x5: {  	s20 =	simm.s32 $0x4000;
	s21 =	simm.s32 $0x80;
	s22 =	simm.s32 $0x1  }
0x6: {  	[smem:$0x7FF] =	sst s2;
	s4 =	sadd.s32 $0x20E00, s6;
	s15 =	sadd.s32 $0x16E00, s6  }
0x7: {  	s18 =	sand.u32 $0x1, s5;
	s16 =	sadd.s32 $0x2E00, s6;
	s8 =	smul.u32 $0x4F000, s3  }
0x8: {  	s5 =	sadd.s32 $0x48000, s6;
	s14 =	smul.u32 $0x13C00, s3;
	s6 =	sadd.s32 $0x6F800, s6  }
0x9: {  	s10 =	sshll.u32 s3, $0x9;
	s19 =	sshll.u32 s3, $0xB;
	_ =	strace $0x8000004A  }
0xa: {  	s7 =	ssub.s32 $0x2, s18;
	s13 =	sor.u32 $0x8000, s10;
	p0 =	sne.s32 s18, $0x0  }
0xb: {  	s18 =	simm.s32 $0x8000;
	s9 =	sshrl.u32 s7, $0x1;
	s8 =	sshrl.u32 s8, $0x2  }
.Ltmp0:
0xc: {  	s12 =	sadd.s32 s15, s13;
	s13 =	sadd.s32 s16, s13;
	(pc) =	sbr.rel .LBB2_1-.Ltmp0, $4  }
0xd: {  	s15 =	sadd.s32 s15, s19;
	s16 =	sadd.s32 s16, s19;
	s19 =	simm.s32 $0x2  }
0xe: {  	s17 =	ssub.s32 s7, s9;
	s7 =	sadd.s32 s14, s1;
	s11 =	sadd.s32 s8, s1  }
0xf: {  	s14 =	sshrl.u32 s14, $0x3;
	s8 =	sadd.s32 $0x4000, s11;
	s9 =	sadd.s32 $0x8000, s11  }
0x10: {  	v0 =	vimm.f32 $0.0e+00;
	s10 =	sadd.s32 $0xC000, s11;
	s11 =	sadd.s32 $0x10000, s11;
	s17 =	smax.u32 s17, $0x1  }
.LBB2_9:
0x11: {  	s23 =	sshra.s32 s23, $0x2;
	[sflag:s19] =	ssyncadd.s32 $0xFFFFC000  }
0x12: {  	[tilespmem:s18], [sflag:$0x1] =	stream.indirect.gather [hbm4b:s4+s21], $0x80, s23, s21, $0xb8;
	[tilespmem:$0x1FC00] =	vst v63  }
0x13: {  	_ =	swait.ge [sflag:s22], $0x4000  }
0x14: {  	[sflag:s22] =	ssyncset.done $0x0  }
0x15: {  	s23 =	sadd.s32 $0x4000, s23;
	[sflag:s22] =	ssyncadd.s32 $0xFFFFC000  }
0x16: {  	[spmem:s1] =	stream.indirect.scatter.add.f32 [tilespmem:s18], [sflag:$0x2], $0x80, s23, s21, $0xb8;
	[tilespmem:$0x1FC00] =	vst v63  }
0x17: {  	_ =	swait.ge [sflag:s19], $0x4000  }
0x18: {  	[sflag:s19] =	ssyncset.done $0x0  }
0x19: {  	s23 =	smov.u32 s6;
	[sflag:s19] =	ssyncadd.s32 $0xFFFFC000  }
.LBB2_10:
0x1a: {  	s23 =	sadd.s32 s23, s14;
	s2 =	sadd.s32 $0x1, s2  }
0x1b: {  	s24 =	sshll.u32 s3, $0x6;
	[bflag:$0x0] =	sbarrier.arrive $0xFFFF;
	p1 =	sne.s32 s2, s17  }
.Ltmp1:
0x1c: {  	s25 =	sshrl.u32 s7, $0x3;
	s24 =	sor.u32 $0x1C02, s24;
	(pc) =	sbr.rel @!p1 .LBB2_11-.Ltmp1, $4  }
0x1d: {  	[hbm:s23], [sflag:s24] =	dma.local [spmem:s25], $0x2780  }
0x1e: {  	_ =	swait.ge [sflag:s19], $0x2780  }
0x1f: {  	[sflag:s19] =	ssyncset.done $0x0  }
0x20: {  	[sflag:s19] =	ssyncadd.s32 $0xFFFFD880  }
.LBB2_1:
0x21: {  	s23 =	simm.s32 $0x0;
	s24 =	simm.s32 $0x200  }
.LBB2_2:
0x22: {  	p1 =	sne.s32 s24, $0xFE00;
	[tilespmem:s23+$0x8070] =	vst v0  }
0x23: {  	[tilespmem:s23+$0x8000] =	vst v0  }
0x24: {  	[tilespmem:s23+$0x8010] =	vst v0  }
.Ltmp2:
0x25: {  	[tilespmem:s23+$0x8020] =	vst v0;
	(pc) =	sbr.rel @p1 .LBB2_2-.Ltmp2, $4  }
0x26: {  	[tilespmem:s23+$0x8030] =	vst v0  }
0x27: {  	[tilespmem:s23+$0x8040] =	vst v0  }
0x28: {  	[tilespmem:s23+$0x8050] =	vst v0  }
0x29: {  	[tilespmem:s23+$0x8060] =	vst v0;
	s23 =	sshra.s32 s24, $0x2;
	s24 =	sadd.s32 $0x200, s24  }
0x2a: {  	[tilespmem:s23+$0x8070] =	vst v0  }
0x2b: {  	[tilespmem:s23+$0x8000] =	vst v0  }
0x2c: {  	[tilespmem:s23+$0x8010] =	vst v0  }
0x2d: {  	[tilespmem:s23+$0x8020] =	vst v0  }
0x2e: {  	[tilespmem:s23+$0x8030] =	vst v0  }
0x2f: {  	[tilespmem:s23+$0x8040] =	vst v0  }
0x30: {  	[tilespmem:s23+$0x8050] =	vst v0  }
0x31: {  	[tilespmem:s23+$0x8060] =	vst v0  }
0x32: {  	[spmem:s7] =	stream.linear.scatter [tilespmem:s18], [sflag:$0x2], $0x4000, $0x38;
	[tilespmem:$0x1FC00] =	vst v63  }
0x33: {  	_ =	swait.ge [sflag:s19], $0x4000  }
0x34: {  	[sflag:s19] =	ssyncset.done $0x0  }
0x35: {  	[sflag:s19] =	ssyncadd.s32 $0xFFFFC000  }
0x36: {  	[spmem:s8] =	stream.linear.scatter [tilespmem:s18], [sflag:$0x2], $0x4000, $0x38;
	[tilespmem:$0x1FC00] =	vst v63  }
0x37: {  	_ =	swait.ge [sflag:s19], $0x4000  }
0x38: {  	[sflag:s19] =	ssyncset.done $0x0  }
0x39: {  	[sflag:s19] =	ssyncadd.s32 $0xFFFFC000  }
0x3a: {  	[spmem:s9] =	stream.linear.scatter [tilespmem:s18], [sflag:$0x2], $0x4000, $0x38;
	[tilespmem:$0x1FC00] =	vst v63  }
0x3b: {  	_ =	swait.ge [sflag:s19], $0x4000  }
0x3c: {  	[sflag:s19] =	ssyncset.done $0x0  }
0x3d: {  	[sflag:s19] =	ssyncadd.s32 $0xFFFFC000  }
0x3e: {  	[spmem:s10] =	stream.linear.scatter [tilespmem:s18], [sflag:$0x2], $0x4000, $0x38;
	[tilespmem:$0x1FC00] =	vst v63  }
0x3f: {  	_ =	swait.ge [sflag:s19], $0x4000  }
0x40: {  	[sflag:s19] =	ssyncset.done $0x0  }
.Ltmp3:
0x41: {  	[sflag:s19] =	ssyncadd.s32 $0xFFFFC000;
	(pc) =	sbr.rel @p0 .LBB2_7-.Ltmp3, $4  }
0x42: {  	[spmem:s11] =	stream.linear.scatter [tilespmem:s18], [sflag:$0x2], $0x3C00, $0x38;
	[tilespmem:$0x1FC00] =	vst v63  }
0x43: {  	_ =	swait.ge [sflag:s19], $0x3C00  }
0x44: {  	[sflag:s19] =	ssyncset.done $0x0  }
0x45: {  	s23 =	simm.s32 $0x0;
	[sflag:s19] =	ssyncadd.s32 $0xFFFFC400  }
0x46: {  	[tilespmem:s23], [sflag:$0x2] =	stream.linear.gather [hbm4b:s15+s23], $0x4000, $0x38;
	[tilespmem:$0x1FC00] =	vst v63  }
0x47: {  	_ =	swait.ge [sflag:s19], $0x4000  }
0x48: {  	[sflag:s19] =	ssyncset.done $0x0  }
0x49: {  	[sflag:s19] =	ssyncadd.s32 $0xFFFFC000  }
0x4a: {  	[tilespmem:s20], [sflag:$0x2] =	stream.linear.gather [hbm4b:s16+s23], $0x4000, $0x38;
	[tilespmem:$0x1FC00] =	vst v63  }
0x4b: {  	_ =	swait.ge [sflag:s19], $0x4000  }
0x4c: {  	[sflag:s19] =	ssyncset.done $0x0  }
0x4d: {  	[sflag:s19] =	ssyncadd.s32 $0xFFFFC000  }
0x4e: {  	s30 =	simm.s32 $0x0;
	[bflag:$0x0] =	sbarrier.arrive $0xFFFF  }
0x4f: {  	[tilespmem:s18], [sflag:$0x1] =	stream.indirect.gather [hbm4b:s4+s21], $0x80, s30, s21, $0xb8;
	[tilespmem:$0x1FC00] =	vst v63  }
0x50: {  	_ =	swait.ge [sflag:s22], $0x4000  }
0x51: {  	[sflag:s22] =	ssyncset.done $0x0  }
0x52: {  	s31 =	simm.s32 $0x4000;
	[sflag:s22] =	ssyncadd.s32 $0xFFFFC000  }
0x53: {  	[spmem:s1] =	stream.indirect.scatter.add.f32 [tilespmem:s18], [sflag:$0x2], $0x80, s31, s21, $0xb8;
	[tilespmem:$0x1FC00] =	vst v63  }
0x54: {  	_ =	swait.ge [sflag:s19], $0x4000  }
0x55: {  	s24 =	simm.s32 $0x400;
	s23 =	simm.s32 $0x200;
	[sflag:s19] =	ssyncset.done $0x0  }
.LBB2_5:
0x56: {  	s25 =	sshra.s32 s23, $0x2  }
0x57: {  	[sflag:s19] =	ssyncadd.s32 $0xFFFFC000;
	s23 =	smov.u32 s24;
	s26 =	sadd.s32 $0x200, s24  }
0x58: {  	[tilespmem:s18], [sflag:$0x1] =	stream.indirect.gather [hbm4b:s4+s21], $0x80, s25, s21, $0xb8;
	[tilespmem:$0x1FC00] =	vst v63  }
0x59: {  	p1 =	seq.s32 s24, $0xFE00;
	_ =	swait.ge [sflag:s22], $0x4000  }
.Ltmp4:
0x5a: {  	[sflag:s22] =	ssyncset.done $0x0;
	(pc) =	sbr.rel @!p1 .LBB2_5-.Ltmp4, $4  }
0x5b: {  	s24 =	sadd.s32 $0x4000, s25;
	[sflag:s22] =	ssyncadd.s32 $0xFFFFC000  }
0x5c: {  	[spmem:s1] =	stream.indirect.scatter.add.f32 [tilespmem:s18], [sflag:$0x2], $0x80, s24, s21, $0xb8;
	[tilespmem:$0x1FC00] =	vst v63  }
0x5d: {  	_ =	swait.ge [sflag:s19], $0x4000  }
0x5e: {  	s24 =	smov.u32 s26;
	[sflag:s19] =	ssyncset.done $0x0  }
0x5f: {  	s23 =	sshra.s32 s23, $0x2;
	[sflag:s19] =	ssyncadd.s32 $0xFFFFC000  }
0x60: {  	[tilespmem:s18], [sflag:$0x1] =	stream.indirect.gather [hbm4b:s4+s21], $0x80, s23, s21, $0xb8;
	[tilespmem:$0x1FC00] =	vst v63  }
0x61: {  	_ =	swait.ge [sflag:s22], $0x4000  }
0x62: {  	[sflag:s22] =	ssyncset.done $0x0  }
.Ltmp5:
0x63: {  	s23 =	sadd.s32 $0x4000, s23;
	[sflag:s22] =	ssyncadd.s32 $0xFFFFC000;
	(pc) =	sbr.rel .LBB2_10-.Ltmp5, $4  }
0x64: {  	[spmem:s1] =	stream.indirect.scatter.add.f32 [tilespmem:s18], [sflag:$0x2], $0x80, s23, s21, $0xb8;
	[tilespmem:$0x1FC00] =	vst v63  }
0x65: {  	_ =	swait.ge [sflag:s19], $0x4000  }
0x66: {  	[sflag:s19] =	ssyncset.done $0x0  }
0x67: {  	s23 =	smov.u32 s5;
	[sflag:s19] =	ssyncadd.s32 $0xFFFFC000  }
.LBB2_7:
0x68: {  	[tilespmem:s23], [sflag:$0x2] =	stream.linear.gather [hbm4b:s12+s23], $0x1000, $0x38;
	[tilespmem:$0x1FC00] =	vst v63  }
0x69: {  	_ =	swait.ge [sflag:s19], $0x1000  }
0x6a: {  	[sflag:s19] =	ssyncset.done $0x0  }
0x6b: {  	[sflag:s19] =	ssyncadd.s32 $0xFFFFF000  }
0x6c: {  	[tilespmem:s20], [sflag:$0x2] =	stream.linear.gather [hbm4b:s13+s23], $0x1000, $0x38;
	[tilespmem:$0x1FC00] =	vst v63  }
0x6d: {  	_ =	swait.ge [sflag:s19], $0x1000  }
0x6e: {  	[sflag:s19] =	ssyncset.done $0x0  }
0x6f: {  	[sflag:s19] =	ssyncadd.s32 $0xFFFFF000  }
0x70: {  	s30 =	simm.s32 $0x0;
	[bflag:$0x0] =	sbarrier.arrive $0xFFFF  }
0x71: {  	[tilespmem:s18], [sflag:$0x1] =	stream.indirect.gather [hbm4b:s4+s21], $0x80, s30, s21, $0xb8;
	[tilespmem:$0x1FC00] =	vst v63  }
0x72: {  	_ =	swait.ge [sflag:s22], $0x4000  }
0x73: {  	[sflag:s22] =	ssyncset.done $0x0  }
0x74: {  	s31 =	simm.s32 $0x4000;
	[sflag:s22] =	ssyncadd.s32 $0xFFFFC000  }
0x75: {  	[spmem:s1] =	stream.indirect.scatter.add.f32 [tilespmem:s18], [sflag:$0x2], $0x80, s31, s21, $0xb8;
	[tilespmem:$0x1FC00] =	vst v63  }
0x76: {  	_ =	swait.ge [sflag:s19], $0x4000  }
0x77: {  	s24 =	simm.s32 $0x400;
	s23 =	simm.s32 $0x200;
	[sflag:s19] =	ssyncset.done $0x0  }
.LBB2_8:
0x78: {  	s25 =	sshra.s32 s23, $0x2  }
0x79: {  	[sflag:s19] =	ssyncadd.s32 $0xFFFFC000;
	s23 =	smov.u32 s24;
	s26 =	sadd.s32 $0x200, s24  }
0x7a: {  	[tilespmem:s18], [sflag:$0x1] =	stream.indirect.gather [hbm4b:s4+s21], $0x80, s25, s21, $0xb8;
	[tilespmem:$0x1FC00] =	vst v63  }
0x7b: {  	p1 =	sne.s32 s24, $0x3E00;
	_ =	swait.ge [sflag:s22], $0x4000  }
.Ltmp6:
0x7c: {  	[sflag:s22] =	ssyncset.done $0x0;
	(pc) =	sbr.rel @p1 .LBB2_8-.Ltmp6, $4  }
0x7d: {  	s24 =	sadd.s32 $0x4000, s25;
	[sflag:s22] =	ssyncadd.s32 $0xFFFFC000  }
0x7e: {  	[spmem:s1] =	stream.indirect.scatter.add.f32 [tilespmem:s18], [sflag:$0x2], $0x80, s24, s21, $0xb8;
	[tilespmem:$0x1FC00] =	vst v63  }
0x7f: {  	_ =	swait.ge [sflag:s19], $0x4000  }
0x80: {  	s24 =	smov.u32 s26;
	[sflag:s19] =	ssyncset.done $0x0  }
.Ltmp7:
0x81: {  	_ = 	snop;
	(pc) =	sbr.rel .LBB2_9-.Ltmp7, $1  }
0x82: {  	_ =	sdelay $0x3  }
.LBB2_11:
0x83: {  	_ =	sfence.sel $0x180000  }
0x84: {  	[bflag:$0x0] =	sbarrier.arrive $0xFFFF  }
0x85: {  	p0 =	sne.s32 s3, $0x0;
	_ =	strace $0x9000004A  }
0x86: {  	s0 =	sadd.s32 @!p0 $0x100000, s0;
	[bflag:$0x2] =	sbarrier.arrive $0xFFFF  }
0x87: {  	[sflag:s0] =	ssyncadd.tile.s32 @!p0 $0x1;
	_ =	shalt  }
.Lfunc_end2:
_tile_overlayer_lowered:
.L_overlay_start_2:
0x88: {  	(tag) =	ssettag $0x2  }
0x89: {  	s0 =	rddreg [dreg:$0x0];
	s2 =	stileid.u32  }
0x8a: {  	s1 =	rddreg [dreg:$0x1];
	p0 =	sne.s32 s2, $0x0  }
0x8b: {  	s3 =	rddreg [dreg:$0x2];
	[bflag:$0x3] =	sbarrier.arrive $0xFFFF;
	s2 =	simm.s32 @!p0 $0x1C02  }
0x8c: {  	[timem:s3], [sflag:s2] =	dma.local @!p0 [hbm:s0], s1  }
0x8d: {  	s0 =	simm.s32 @!p0 $0x2  }
0x8e: {  	_ =	swait.ge @!p0 [sflag:s0], s1  }
0x8f: {  	s1 =	ssub.s32 @!p0 $0x0, s1;
	[sflag:s0] =	ssyncset.done @!p0 $0x0  }
0x90: {  	[sflag:s0] =	ssyncadd.s32 @!p0 s1  }
0x91: {  	[bflag:$0x3] =	sbarrier.arrive $0xFFFF  }
0x92: {  	_ =	shalt  }

// kernel: kernel.15.cloned.1.call-start
scs
__scs_entry_jumppad:
0x0: {  	(pc) =	sbr.rel $0x88, $3  }
0x1: {  	(tag) =	ssettag $0x0;
	lr =	simm.s32 $0x1  }
0x2: {  	[smem:$0x3F9A] =	sst lr;
	_ =	strace $0xD0000000  }
0x3: {  	_ = 	snop  }
0x4: {  	_ = 	snop  }
0x5: {  	_ = 	snop  }
0x6: {  	_ = 	snop  }
0x7: {  	_ = 	snop  }
__scs_overlays_trampoline_lowered:
0x8: {  	[smem:$0x3FA9] =	sst s0  }
0x9: {  	[smem:$0x3FAA] =	sst s1  }
0xa: {  	[smem:$0x3FAB] =	sst s2  }
0xb: {  	[smem:$0x3FAC] =	sst s3  }
0xc: {  	[smem:$0x3FAD] =	sst s4  }
0xd: {  	[smem:$0x3FAE] =	sst s5  }
0xe: {  	[smem:$0x3FAF] =	sst s6  }
0xf: {  	[smem:$0x3FB0] =	sst s7  }
0x10: {  	[smem:$0x3FB1] =	sst s8  }
0x11: {  	[smem:$0x3FB2] =	sst s9;
	s0 =	simm.s32 @!p0 $0x0  }
0x12: {  	s1 =	sld [smem:$0x3F98];
	s0 =	simm.s32 @p0 $0x1  }
0x13: {  	[smem:$0x3FB3] =	sst s0;
	s0 =	simm.s32 @!p1 $0x0  }
0x14: {  	s2 =	sld [smem:$0x3F97];
	s0 =	simm.s32 @p1 $0x1  }
0x15: {  	[smem:$0x3FB4] =	sst s0;
	s0 =	simm.s32 @!p2 $0x0  }
0x16: {  	s3 =	sld [smem:$0x3FDB];
	s0 =	simm.s32 @p2 $0x1  }
0x17: {  	s4 =	simm.s32 $0x1BF5;
	[smem:$0x3FB6] =	sst s0  }
0x18: {  	s0 =	sld [smem:$0x3F99];
	_ =	swait.ge [sflag:s4], $0x0  }
0x19: {  	s7 =	sld [smem:$0x3F9A]  }
0x1a: {  	s8 =	sadd.s32 $0xFFFFE003, lr  }
0x1b: {  	s9 =	sadd.s32 $0xFFFFFEF7, lr;
	s5 =	simm.s32 $0xFFFFFFFF;
	p2 =	slt.u32 s8, $0xFFFFF086  }
0x1c: {  	p1 =	slt.u32 s9, $0xF7A;
	s5 =	simm.s32 @!p2 $0x0  }
0x1d: {  	s5 =	simm.s32 @p1 $0x1;
	p0 =	seq.s32 s7, s2  }
0x1e: {  	s7 =	smul.u32 @!p0 $0xF7A, s2;
	p2 =	seq.s32 @!p0 s5, $0x0  }
0x1f: {  	s9 =	smul.u32 $0xF7A, s1;
	s8 =	simm.s32 @!p0 $0x1BF5;
	p2 =	por !p2, p0  }
0x20: {  	[sflag:s8] =	ssyncset.s32 @!p0 $0xFFFFF086;
	s6 =	sadd.s32 @!p0 s3, s7;
	s7 =	simm.s32 @!p0 $0x108  }
0x21: {  	s3 =	sadd.s32 s3, s9;
	s6 =	sadd.s32 @!p0 $0x88, s6;
	s7 =	simm.s32 @p2 $0x1082  }
0x22: {  	[simem:s7], [sflag:s8] =	dma.local @!p0 [hbm:s6], $0xF7A  }
0x23: {  	s9 =	sor.u32 $0xD0000000, s2;
	s6 =	simm.s32 $0x108;
	_ =	swait.ge @!p0 [sflag:s8], $0x0  }
0x24: {  	s3 =	sadd.s32 $0x88, s3;
	s6 =	simm.s32 @!p1 $0x1082;
	[sflag:s4] =	ssyncset.s32 $0xFFFFF086  }
0x25: {  	[simem:s6], [sflag:s4] =	dma.local [hbm:s3], $0xF7A  }
0x26: {  	[smem:$0x3F9A] =	sst s1;
	(tag) =	ssettag s2;
	_ =	strace s9  }
0x27: {  	s1 =	sld [smem:$0x3FAA]  }
0x28: {  	s2 =	sld [smem:$0x3FAB]  }
0x29: {  	s4 =	sld [smem:$0x3FAD]  }
0x2a: {  	p0 =	seq.s32 s5, $0x0;
	s5 =	sld [smem:$0x3FAE]  }
0x2b: {  	s6 =	sld [smem:$0x3FAF]  }
0x2c: {  	s7 =	sld [smem:$0x3FB0]  }
0x2d: {  	s3 =	simm.s32 $0x108;
	s8 =	sld [smem:$0x3FB1]  }
0x2e: {  	s3 =	simm.s32 @!p0 $0x1082;
	s9 =	sld [smem:$0x3FB2]  }
0x2f: {  	lr =	sadd.s32 s0, s3;
	s0 =	sld [smem:$0x3FA9]  }
0x30: {  	s3 =	sld [smem:$0x3FAC]  }
0x31: {  	[smem:$0x3FB5] =	sst s10  }
0x32: {  	s10 =	sld [smem:$0x3FB3];
	_ =	sdelay $0x3  }
0x33: {  	p0 =	seq.s32 s10, $0x1;
	s10 =	sld [smem:$0x3FB5];
	_ =	sdelay $0x3  }
0x34: {  	[smem:$0x3FB5] =	sst s10  }
0x35: {  	s10 =	sld [smem:$0x3FB4];
	_ =	sdelay $0x3  }
0x36: {  	p1 =	seq.s32 s10, $0x1;
	s10 =	sld [smem:$0x3FB5];
	_ =	sdelay $0x3  }
0x37: {  	[smem:$0x3FB5] =	sst s10  }
0x38: {  	s10 =	sld [smem:$0x3FB6]  }
0x39: {  	_ = 	snop;
	(pc) =	sbr.ind lr, $3  }
0x3a: {  	_ = 	snop  }
0x3b: {  	_ = 	snop  }
0x3c: {  	p2 =	seq.s32 s10, $0x1;
	s10 =	sld [smem:$0x3FB5]  }
0x3d: {  	_ =	shalt  }
0x3e: {  	_ =	shalt  }
0x3f: {  	_ =	shalt  }
0x40: {  	_ =	shalt  }
0x41: {  	_ =	shalt  }
0x42: {  	_ =	shalt  }
0x43: {  	_ =	shalt  }
0x44: {  	_ =	shalt  }
0x45: {  	_ =	shalt  }
0x46: {  	_ =	shalt  }
0x47: {  	_ =	shalt  }
0x48: {  	_ =	shalt  }
0x49: {  	_ =	shalt  }
0x4a: {  	_ =	shalt  }
0x4b: {  	_ =	shalt  }
0x4c: {  	_ =	shalt  }
0x4d: {  	_ =	shalt  }
0x4e: {  	_ =	shalt  }
0x4f: {  	_ =	shalt  }
0x50: {  	_ =	shalt  }
0x51: {  	_ =	shalt  }
0x52: {  	_ =	shalt  }
0x53: {  	_ =	shalt  }
0x54: {  	_ =	shalt  }
0x55: {  	_ =	shalt  }
0x56: {  	_ =	shalt  }
0x57: {  	_ =	shalt  }
0x58: {  	_ =	shalt  }
0x59: {  	_ =	shalt  }
0x5a: {  	_ =	shalt  }
0x5b: {  	_ =	shalt  }
0x5c: {  	_ =	shalt  }
0x5d: {  	_ =	shalt  }
0x5e: {  	_ =	shalt  }
0x5f: {  	_ =	shalt  }
0x60: {  	_ =	shalt  }
0x61: {  	_ =	shalt  }
0x62: {  	_ =	shalt  }
0x63: {  	_ =	shalt  }
0x64: {  	_ =	shalt  }
0x65: {  	_ =	shalt  }
0x66: {  	_ =	shalt  }
0x67: {  	_ =	shalt  }
0x68: {  	_ =	shalt  }
0x69: {  	_ =	shalt  }
0x6a: {  	_ =	shalt  }
0x6b: {  	_ =	shalt  }
0x6c: {  	_ =	shalt  }
0x6d: {  	_ =	shalt  }
0x6e: {  	_ =	shalt  }
0x6f: {  	_ =	shalt  }
0x70: {  	_ =	shalt  }
0x71: {  	_ =	shalt  }
0x72: {  	_ =	shalt  }
0x73: {  	_ =	shalt  }
0x74: {  	_ =	shalt  }
0x75: {  	_ =	shalt  }
0x76: {  	_ =	shalt  }
0x77: {  	_ =	shalt  }
0x78: {  	_ =	shalt  }
0x79: {  	_ =	shalt  }
0x7a: {  	_ =	shalt  }
0x7b: {  	_ =	shalt  }
0x7c: {  	_ =	shalt  }
0x7d: {  	_ =	shalt  }
0x7e: {  	_ =	shalt  }
0x7f: {  	_ =	shalt  }
0x80: {  	_ =	shalt  }
0x81: {  	_ =	shalt  }
0x82: {  	_ =	shalt  }
0x83: {  	_ =	shalt  }
0x84: {  	_ =	shalt  }
0x85: {  	_ =	shalt  }
0x86: {  	_ =	shalt  }
0x87: {  	_ =	shalt  }
.Lfunc_end0:
.L_simem_size_0:
called_computation.2_lowered:
.L_overlay_start_0:
0x88: {  	s2 =	sld [smem:$0x3FD9]  }
0x89: {  	s3 =	sld [smem:$0x3FFE];
	_ =	sdelay $0x1  }
0x8a: {  	s1 =	srdreg.scid  }
0x8b: {  	s0 =	sand.u32 $0x1, s1  }
0x8c: {  	s16 =	sshll.u32 s0, $0xA;
	s2 =	sadd.s32 s3, s2  }
0x8d: {  	s2 =	sadd.s32 s2, s16  }
0x8e: {  	[smem:$0x3FC1] =	sst s2  }
0x8f: {  	_ = 	snop  }
0x90: {  	(tm) =	ssettm $0x1  }
0x91: {  	s17 =	sld [smem:$0x3FFB];
	_ =	sdelay $0x3  }
0x92: {  	_ =	strace s17  }
0x93: {  	s2 =	sld [smem:$0x3FFC];
	_ =	sdelay $0x3  }
0x94: {  	_ =	strace s2  }
0x95: {  	s2 =	sld [smem:$0x3FFD];
	_ =	sdelay $0x3  }
0x96: {  	_ =	strace s2  }
0x97: {  	_ =	strace $0x8FFFFFFF  }
0x98: {  	s18 =	sld [smem:$0x3FDB];
	_ =	sdelay $0x1  }
0x99: {  	s19 =	simm.s32 $_scs_section_size  }
0x9a: {  	s4 =	simm.s32 $_size__tile_overlayer_lowered;
	s5 =	simm.s32 $_tile_overlayer_lowered  }
0x9b: {  	s22 =	simm.s32 $0x1BFF;
	s21 =	sshll.u32 s5, $0x1;
	s2 =	sadd.s32 s19, s18  }
0x9c: {  	s6 =	simm.s32 $0x0;
	s20 =	sshll.u32 s4, $0x1;
	s4 =	sadd.s32 s21, s2  }
0x9d: {  	[timem:s6], [sflag:s22] =	dma.local [hbm:s4], s20  }
0x9e: {  	_ =	swait.ge [sflag:s22], s20  }
0x9f: {  	s3 =	ssub.s32 $0x0, s20;
	[sflag:s22] =	ssyncset.done $0x0  }
0xa0: {  	[sflag:s22] =	ssyncadd.s32 s3;
	_ =	sdelay $0x1  }
0xa1: {  	s23 =	simm.s32 $0x1B8B  }
0xa2: {  	_ =	swait.ge [sflag:s23], $0x1  }
0xa3: {  	[sflag:s23] =	ssyncset.done $0x0  }
0xa4: {  	s25 =	simm.s32 $0x1B8E;
	s24 =	sld [smem:$0x3FFE];
	[sflag:s23] =	ssyncadd.s32 $0xFFFFFFFF  }
0xa5: {  	s26 =	simm.s32 $execute0_lowered;
	[smem:$0x3FD2] =	sst s25  }
0xa6: {  	s4 =	sshll.u32 s26, $0x1;
	_ =	strace $0x8000004C;
	[dreg:$0x1] =	wrdreg $0xFFFFFFFF  }
0xa7: {  	s28 =	simm.s32 $_size_execute0_lowered;
	s2 =	sadd.s32 s2, s4;
	[dreg:$0x0] =	wrdreg $0x0  }
0xa8: {  	s4 =	sshll.u32 s28, $0x1;
	[dreg:$0x2] =	wrdreg s2  }
0xa9: {  	[dreg:$0x3] =	wrdreg s4  }
0xaa: {  	[dreg:$0x4] =	wrdreg $0xC0  }
0xab: {  	_ =	task [dreg:s6], $0x5FFFF  }
0xac: {  	[dreg:$0x1] =	wrdreg $0xFFFFFFFF  }
0xad: {  	[dreg:$0x0] =	wrdreg $0x60  }
0xae: {  	[dreg:$0x2] =	wrdreg s24  }
0xaf: {  	[dreg:$0x3] =	wrdreg $0xC0000  }
0xb0: {  	[dreg:$0x4] =	wrdreg $0x9  }
0xb1: {  	_ =	task.clear_ibuf [dreg:s6], $0x5FFFF;
	_ =	strace $0x9000004C  }
0xb2: {  	s29 =	simm.s32 $0x9;
	_ =	strace $0x8000004E  }
0xb3: {  	_ =	swait.ge [sflag:s29], $0x1  }
0xb4: {  	[sflag:s29] =	ssyncadd.s32 $0xFFFFFFFF  }
0xb5: {  	_ =	strace $0x9000004E  }
0xb6: {  	_ =	sfence  }
0xb7: {  	s30 =	sld [smem:$0x0];
	_ =	sdelay $0x2  }
0xb8: {  	s31 =	sshll.u32 s1, $0xD;
	s1 =	sshrl.u32 s1, $0x2  }
0xb9: {  	s3 =	sand.u32 $0x4000, s31;
	s1 =	sadd.s32 s1, s30  }
0xba: {  	s0 =	sor.u32 s3, s0;
	s1 =	sshll.u32 s1, $0x11  }
0xbb: {  	s0 =	sor.u32 s1, s0  }
0xbc: {  	s0 =	sadd.s32 $0x8F2B, s0  }
0xbd: {  	[sflag:s0] =	ssyncadd.remote.s32 $0x1  }
0xbe: {  	_ =	sfence.sel $0xFFFF  }
0xbf: {  	[dreg:$0x0] =	wrdreg $0xFFFFFFFF;
	(pc) =	sbr.abs _section_cstart, $3  }
0xc0: {  	[dreg:$0x1] =	wrdreg $0xFFFFFFFF  }
0xc1: {  	_ =	task.clear_ibuf [dreg:s6], $0x2FFFF;
	_ =	strace $0x9FFFFFFF  }
0xc2: {  	(tm) =	ssettm $0x7FFFFFFF  }
0xc3: {  	_ =	shalt  }
tec
execute0_lowered:
.L_overlay_start_1:
0x0: {  	(tag) =	ssettag $0x1  }
0x1: {  	s6 =	rddreg [dreg:$0x0]  }
0x2: {  	s1 =	rddreg [dreg:$0x1]  }
0x3: {  	s0 =	rddreg [dreg:$0x2]  }
0x4: {  	s2 =	simm.s32 $0x0;
	s5 =	srdreg.scid;
	s3 =	stileid.u32  }
0x5: {  	s20 =	simm.s32 $0x4000;
	s21 =	simm.s32 $0x80;
	s22 =	simm.s32 $0x1  }
0x6: {  	[smem:$0x7FF] =	sst s2;
	s4 =	sadd.s32 $0x20E00, s6;
	s15 =	sadd.s32 $0x16E00, s6  }
0x7: {  	s18 =	sand.u32 $0x1, s5;
	s16 =	sadd.s32 $0x2E00, s6;
	s8 =	smul.u32 $0x4F000, s3  }
0x8: {  	s5 =	sadd.s32 $0x48000, s6;
	s14 =	smul.u32 $0x13C00, s3;
	s6 =	sadd.s32 $0x6F800, s6  }
0x9: {  	s10 =	sshll.u32 s3, $0x9;
	s19 =	sshll.u32 s3, $0xB;
	_ =	strace $0x8000004D  }
0xa: {  	s7 =	ssub.s32 $0x2, s18;
	s13 =	sor.u32 $0x8000, s10;
	p0 =	sne.s32 s18, $0x0  }
0xb: {  	s18 =	simm.s32 $0x8000;
	s9 =	sshrl.u32 s7, $0x1;
	s8 =	sshrl.u32 s8, $0x2  }
.Ltmp0:
0xc: {  	s12 =	sadd.s32 s15, s13;
	s13 =	sadd.s32 s16, s13;
	(pc) =	sbr.rel .LBB2_1-.Ltmp0, $4  }
0xd: {  	s15 =	sadd.s32 s15, s19;
	s16 =	sadd.s32 s16, s19;
	s19 =	simm.s32 $0x2  }
0xe: {  	s17 =	ssub.s32 s7, s9;
	s7 =	sadd.s32 s14, s1;
	s11 =	sadd.s32 s8, s1  }
0xf: {  	s14 =	sshrl.u32 s14, $0x3;
	s8 =	sadd.s32 $0x4000, s11;
	s9 =	sadd.s32 $0x8000, s11  }
0x10: {  	v0 =	vimm.f32 $0.0e+00;
	s10 =	sadd.s32 $0xC000, s11;
	s11 =	sadd.s32 $0x10000, s11;
	s17 =	smax.u32 s17, $0x1  }
.LBB2_9:
0x11: {  	s23 =	sshra.s32 s23, $0x2;
	[sflag:s19] =	ssyncadd.s32 $0xFFFFC000  }
0x12: {  	[tilespmem:s18], [sflag:$0x1] =	stream.indirect.gather [hbm4b:s4+s21], $0x80, s23, s21, $0xb8;
	[tilespmem:$0x1FC00] =	vst v63  }
0x13: {  	_ =	swait.ge [sflag:s22], $0x4000  }
0x14: {  	[sflag:s22] =	ssyncset.done $0x0  }
0x15: {  	s23 =	sadd.s32 $0x4000, s23;
	[sflag:s22] =	ssyncadd.s32 $0xFFFFC000  }
0x16: {  	[spmem:s1] =	stream.indirect.scatter.add.f32 [tilespmem:s18], [sflag:$0x2], $0x80, s23, s21, $0xb8;
	[tilespmem:$0x1FC00] =	vst v63  }
0x17: {  	_ =	swait.ge [sflag:s19], $0x4000  }
0x18: {  	[sflag:s19] =	ssyncset.done $0x0  }
0x19: {  	s23 =	smov.u32 s6;
	[sflag:s19] =	ssyncadd.s32 $0xFFFFC000  }
.LBB2_10:
0x1a: {  	s23 =	sadd.s32 s23, s14;
	s2 =	sadd.s32 $0x1, s2  }
0x1b: {  	s24 =	sshll.u32 s3, $0x6;
	[bflag:$0x0] =	sbarrier.arrive $0xFFFF;
	p1 =	sne.s32 s2, s17  }
.Ltmp1:
0x1c: {  	s25 =	sshrl.u32 s7, $0x3;
	s24 =	sor.u32 $0x1C02, s24;
	(pc) =	sbr.rel @!p1 .LBB2_11-.Ltmp1, $4  }
0x1d: {  	[hbm:s23], [sflag:s24] =	dma.local [spmem:s25], $0x2780  }
0x1e: {  	_ =	swait.ge [sflag:s19], $0x2780  }
0x1f: {  	[sflag:s19] =	ssyncset.done $0x0  }
0x20: {  	[sflag:s19] =	ssyncadd.s32 $0xFFFFD880  }
.LBB2_1:
0x21: {  	s23 =	simm.s32 $0x0;
	s24 =	simm.s32 $0x200  }
.LBB2_2:
0x22: {  	p1 =	sne.s32 s24, $0xFE00;
	[tilespmem:s23+$0x8070] =	vst v0  }
0x23: {  	[tilespmem:s23+$0x8000] =	vst v0  }
0x24: {  	[tilespmem:s23+$0x8010] =	vst v0  }
.Ltmp2:
0x25: {  	[tilespmem:s23+$0x8020] =	vst v0;
	(pc) =	sbr.rel @p1 .LBB2_2-.Ltmp2, $4  }
0x26: {  	[tilespmem:s23+$0x8030] =	vst v0  }
0x27: {  	[tilespmem:s23+$0x8040] =	vst v0  }
0x28: {  	[tilespmem:s23+$0x8050] =	vst v0  }
0x29: {  	[tilespmem:s23+$0x8060] =	vst v0;
	s23 =	sshra.s32 s24, $0x2;
	s24 =	sadd.s32 $0x200, s24  }
0x2a: {  	[tilespmem:s23+$0x8070] =	vst v0  }
0x2b: {  	[tilespmem:s23+$0x8000] =	vst v0  }
0x2c: {  	[tilespmem:s23+$0x8010] =	vst v0  }
0x2d: {  	[tilespmem:s23+$0x8020] =	vst v0  }
0x2e: {  	[tilespmem:s23+$0x8030] =	vst v0  }
0x2f: {  	[tilespmem:s23+$0x8040] =	vst v0  }
0x30: {  	[tilespmem:s23+$0x8050] =	vst v0  }
0x31: {  	[tilespmem:s23+$0x8060] =	vst v0  }
0x32: {  	[spmem:s7] =	stream.linear.scatter [tilespmem:s18], [sflag:$0x2], $0x4000, $0x38;
	[tilespmem:$0x1FC00] =	vst v63  }
0x33: {  	_ =	swait.ge [sflag:s19], $0x4000  }
0x34: {  	[sflag:s19] =	ssyncset.done $0x0  }
0x35: {  	[sflag:s19] =	ssyncadd.s32 $0xFFFFC000  }
0x36: {  	[spmem:s8] =	stream.linear.scatter [tilespmem:s18], [sflag:$0x2], $0x4000, $0x38;
	[tilespmem:$0x1FC00] =	vst v63  }
0x37: {  	_ =	swait.ge [sflag:s19], $0x4000  }
0x38: {  	[sflag:s19] =	ssyncset.done $0x0  }
0x39: {  	[sflag:s19] =	ssyncadd.s32 $0xFFFFC000  }
0x3a: {  	[spmem:s9] =	stream.linear.scatter [tilespmem:s18], [sflag:$0x2], $0x4000, $0x38;
	[tilespmem:$0x1FC00] =	vst v63  }
0x3b: {  	_ =	swait.ge [sflag:s19], $0x4000  }
0x3c: {  	[sflag:s19] =	ssyncset.done $0x0  }
0x3d: {  	[sflag:s19] =	ssyncadd.s32 $0xFFFFC000  }
0x3e: {  	[spmem:s10] =	stream.linear.scatter [tilespmem:s18], [sflag:$0x2], $0x4000, $0x38;
	[tilespmem:$0x1FC00] =	vst v63  }
0x3f: {  	_ =	swait.ge [sflag:s19], $0x4000  }
0x40: {  	[sflag:s19] =	ssyncset.done $0x0  }
.Ltmp3:
0x41: {  	[sflag:s19] =	ssyncadd.s32 $0xFFFFC000;
	(pc) =	sbr.rel @p0 .LBB2_7-.Ltmp3, $4  }
0x42: {  	[spmem:s11] =	stream.linear.scatter [tilespmem:s18], [sflag:$0x2], $0x3C00, $0x38;
	[tilespmem:$0x1FC00] =	vst v63  }
0x43: {  	_ =	swait.ge [sflag:s19], $0x3C00  }
0x44: {  	[sflag:s19] =	ssyncset.done $0x0  }
0x45: {  	s23 =	simm.s32 $0x0;
	[sflag:s19] =	ssyncadd.s32 $0xFFFFC400  }
0x46: {  	[tilespmem:s23], [sflag:$0x2] =	stream.linear.gather [hbm4b:s15+s23], $0x4000, $0x38;
	[tilespmem:$0x1FC00] =	vst v63  }
0x47: {  	_ =	swait.ge [sflag:s19], $0x4000  }
0x48: {  	[sflag:s19] =	ssyncset.done $0x0  }
0x49: {  	[sflag:s19] =	ssyncadd.s32 $0xFFFFC000  }
0x4a: {  	[tilespmem:s20], [sflag:$0x2] =	stream.linear.gather [hbm4b:s16+s23], $0x4000, $0x38;
	[tilespmem:$0x1FC00] =	vst v63  }
0x4b: {  	_ =	swait.ge [sflag:s19], $0x4000  }
0x4c: {  	[sflag:s19] =	ssyncset.done $0x0  }
0x4d: {  	[sflag:s19] =	ssyncadd.s32 $0xFFFFC000  }
0x4e: {  	s30 =	simm.s32 $0x0;
	[bflag:$0x0] =	sbarrier.arrive $0xFFFF  }
0x4f: {  	[tilespmem:s18], [sflag:$0x1] =	stream.indirect.gather [hbm4b:s4+s21], $0x80, s30, s21, $0xb8;
	[tilespmem:$0x1FC00] =	vst v63  }
0x50: {  	_ =	swait.ge [sflag:s22], $0x4000  }
0x51: {  	[sflag:s22] =	ssyncset.done $0x0  }
0x52: {  	s31 =	simm.s32 $0x4000;
	[sflag:s22] =	ssyncadd.s32 $0xFFFFC000  }
0x53: {  	[spmem:s1] =	stream.indirect.scatter.add.f32 [tilespmem:s18], [sflag:$0x2], $0x80, s31, s21, $0xb8;
	[tilespmem:$0x1FC00] =	vst v63  }
0x54: {  	_ =	swait.ge [sflag:s19], $0x4000  }
0x55: {  	s24 =	simm.s32 $0x400;
	s23 =	simm.s32 $0x200;
	[sflag:s19] =	ssyncset.done $0x0  }
.LBB2_5:
0x56: {  	s25 =	sshra.s32 s23, $0x2  }
0x57: {  	[sflag:s19] =	ssyncadd.s32 $0xFFFFC000;
	s23 =	smov.u32 s24;
	s26 =	sadd.s32 $0x200, s24  }
0x58: {  	[tilespmem:s18], [sflag:$0x1] =	stream.indirect.gather [hbm4b:s4+s21], $0x80, s25, s21, $0xb8;
	[tilespmem:$0x1FC00] =	vst v63  }
0x59: {  	p1 =	seq.s32 s24, $0xFE00;
	_ =	swait.ge [sflag:s22], $0x4000  }
.Ltmp4:
0x5a: {  	[sflag:s22] =	ssyncset.done $0x0;
	(pc) =	sbr.rel @!p1 .LBB2_5-.Ltmp4, $4  }
0x5b: {  	s24 =	sadd.s32 $0x4000, s25;
	[sflag:s22] =	ssyncadd.s32 $0xFFFFC000  }
0x5c: {  	[spmem:s1] =	stream.indirect.scatter.add.f32 [tilespmem:s18], [sflag:$0x2], $0x80, s24, s21, $0xb8;
	[tilespmem:$0x1FC00] =	vst v63  }
0x5d: {  	_ =	swait.ge [sflag:s19], $0x4000  }
0x5e: {  	s24 =	smov.u32 s26;
	[sflag:s19] =	ssyncset.done $0x0  }
0x5f: {  	s23 =	sshra.s32 s23, $0x2;
	[sflag:s19] =	ssyncadd.s32 $0xFFFFC000  }
0x60: {  	[tilespmem:s18], [sflag:$0x1] =	stream.indirect.gather [hbm4b:s4+s21], $0x80, s23, s21, $0xb8;
	[tilespmem:$0x1FC00] =	vst v63  }
0x61: {  	_ =	swait.ge [sflag:s22], $0x4000  }
0x62: {  	[sflag:s22] =	ssyncset.done $0x0  }
.Ltmp5:
0x63: {  	s23 =	sadd.s32 $0x4000, s23;
	[sflag:s22] =	ssyncadd.s32 $0xFFFFC000;
	(pc) =	sbr.rel .LBB2_10-.Ltmp5, $4  }
0x64: {  	[spmem:s1] =	stream.indirect.scatter.add.f32 [tilespmem:s18], [sflag:$0x2], $0x80, s23, s21, $0xb8;
	[tilespmem:$0x1FC00] =	vst v63  }
0x65: {  	_ =	swait.ge [sflag:s19], $0x4000  }
0x66: {  	[sflag:s19] =	ssyncset.done $0x0  }
0x67: {  	s23 =	smov.u32 s5;
	[sflag:s19] =	ssyncadd.s32 $0xFFFFC000  }
.LBB2_7:
0x68: {  	[tilespmem:s23], [sflag:$0x2] =	stream.linear.gather [hbm4b:s12+s23], $0x1000, $0x38;
	[tilespmem:$0x1FC00] =	vst v63  }
0x69: {  	_ =	swait.ge [sflag:s19], $0x1000  }
0x6a: {  	[sflag:s19] =	ssyncset.done $0x0  }
0x6b: {  	[sflag:s19] =	ssyncadd.s32 $0xFFFFF000  }
0x6c: {  	[tilespmem:s20], [sflag:$0x2] =	stream.linear.gather [hbm4b:s13+s23], $0x1000, $0x38;
	[tilespmem:$0x1FC00] =	vst v63  }
0x6d: {  	_ =	swait.ge [sflag:s19], $0x1000  }
0x6e: {  	[sflag:s19] =	ssyncset.done $0x0  }
0x6f: {  	[sflag:s19] =	ssyncadd.s32 $0xFFFFF000  }
0x70: {  	s30 =	simm.s32 $0x0;
	[bflag:$0x0] =	sbarrier.arrive $0xFFFF  }
0x71: {  	[tilespmem:s18], [sflag:$0x1] =	stream.indirect.gather [hbm4b:s4+s21], $0x80, s30, s21, $0xb8;
	[tilespmem:$0x1FC00] =	vst v63  }
0x72: {  	_ =	swait.ge [sflag:s22], $0x4000  }
0x73: {  	[sflag:s22] =	ssyncset.done $0x0  }
0x74: {  	s31 =	simm.s32 $0x4000;
	[sflag:s22] =	ssyncadd.s32 $0xFFFFC000  }
0x75: {  	[spmem:s1] =	stream.indirect.scatter.add.f32 [tilespmem:s18], [sflag:$0x2], $0x80, s31, s21, $0xb8;
	[tilespmem:$0x1FC00] =	vst v63  }
0x76: {  	_ =	swait.ge [sflag:s19], $0x4000  }
0x77: {  	s24 =	simm.s32 $0x400;
	s23 =	simm.s32 $0x200;
	[sflag:s19] =	ssyncset.done $0x0  }
.LBB2_8:
0x78: {  	s25 =	sshra.s32 s23, $0x2  }
0x79: {  	[sflag:s19] =	ssyncadd.s32 $0xFFFFC000;
	s23 =	smov.u32 s24;
	s26 =	sadd.s32 $0x200, s24  }
0x7a: {  	[tilespmem:s18], [sflag:$0x1] =	stream.indirect.gather [hbm4b:s4+s21], $0x80, s25, s21, $0xb8;
	[tilespmem:$0x1FC00] =	vst v63  }
0x7b: {  	p1 =	sne.s32 s24, $0x3E00;
	_ =	swait.ge [sflag:s22], $0x4000  }
.Ltmp6:
0x7c: {  	[sflag:s22] =	ssyncset.done $0x0;
	(pc) =	sbr.rel @p1 .LBB2_8-.Ltmp6, $4  }
0x7d: {  	s24 =	sadd.s32 $0x4000, s25;
	[sflag:s22] =	ssyncadd.s32 $0xFFFFC000  }
0x7e: {  	[spmem:s1] =	stream.indirect.scatter.add.f32 [tilespmem:s18], [sflag:$0x2], $0x80, s24, s21, $0xb8;
	[tilespmem:$0x1FC00] =	vst v63  }
0x7f: {  	_ =	swait.ge [sflag:s19], $0x4000  }
0x80: {  	s24 =	smov.u32 s26;
	[sflag:s19] =	ssyncset.done $0x0  }
.Ltmp7:
0x81: {  	_ = 	snop;
	(pc) =	sbr.rel .LBB2_9-.Ltmp7, $1  }
0x82: {  	_ =	sdelay $0x3  }
.LBB2_11:
0x83: {  	_ =	sfence.sel $0x180000  }
0x84: {  	[bflag:$0x0] =	sbarrier.arrive $0xFFFF  }
0x85: {  	p0 =	sne.s32 s3, $0x0;
	_ =	strace $0x9000004D  }
0x86: {  	s0 =	sadd.s32 @!p0 $0x100000, s0;
	[bflag:$0x2] =	sbarrier.arrive $0xFFFF  }
0x87: {  	[sflag:s0] =	ssyncadd.tile.s32 @!p0 $0x1;
	_ =	shalt  }
.Lfunc_end2:
_tile_overlayer_lowered:
.L_overlay_start_2:
0x88: {  	(tag) =	ssettag $0x2  }
0x89: {  	s0 =	rddreg [dreg:$0x0];
	s2 =	stileid.u32  }
0x8a: {  	s1 =	rddreg [dreg:$0x1];
	p0 =	sne.s32 s2, $0x0  }
0x8b: {  	s3 =	rddreg [dreg:$0x2];
	[bflag:$0x3] =	sbarrier.arrive $0xFFFF;
	s2 =	simm.s32 @!p0 $0x1C02  }
0x8c: {  	[timem:s3], [sflag:s2] =	dma.local @!p0 [hbm:s0], s1  }
0x8d: {  	s0 =	simm.s32 @!p0 $0x2  }
0x8e: {  	_ =	swait.ge @!p0 [sflag:s0], s1  }
0x8f: {  	s1 =	ssub.s32 @!p0 $0x0, s1;
	[sflag:s0] =	ssyncset.done @!p0 $0x0  }
0x90: {  	[sflag:s0] =	ssyncadd.s32 @!p0 s1  }
0x91: {  	[bflag:$0x3] =	sbarrier.arrive $0xFFFF  }
0x92: {  	_ =	shalt  }

// kernel: kernel.9.cloned.1.call-start
scs
__scs_entry_jumppad:
0x0: {  	(pc) =	sbr.rel $0x88, $3  }
0x1: {  	(tag) =	ssettag $0x0;
	lr =	simm.s32 $0x1  }
0x2: {  	[smem:$0x3F9A] =	sst lr;
	_ =	strace $0xD0000000  }
0x3: {  	_ = 	snop  }
0x4: {  	_ = 	snop  }
0x5: {  	_ = 	snop  }
0x6: {  	_ = 	snop  }
0x7: {  	_ = 	snop  }
__scs_overlays_trampoline_lowered:
0x8: {  	[smem:$0x3FA9] =	sst s0  }
0x9: {  	[smem:$0x3FAA] =	sst s1  }
0xa: {  	[smem:$0x3FAB] =	sst s2  }
0xb: {  	[smem:$0x3FAC] =	sst s3  }
0xc: {  	[smem:$0x3FAD] =	sst s4  }
0xd: {  	[smem:$0x3FAE] =	sst s5  }
0xe: {  	[smem:$0x3FAF] =	sst s6  }
0xf: {  	[smem:$0x3FB0] =	sst s7  }
0x10: {  	[smem:$0x3FB1] =	sst s8  }
0x11: {  	[smem:$0x3FB2] =	sst s9;
	s0 =	simm.s32 @!p0 $0x0  }
0x12: {  	s1 =	sld [smem:$0x3F98];
	s0 =	simm.s32 @p0 $0x1  }
0x13: {  	[smem:$0x3FB3] =	sst s0;
	s0 =	simm.s32 @!p1 $0x0  }
0x14: {  	s2 =	sld [smem:$0x3F97];
	s0 =	simm.s32 @p1 $0x1  }
0x15: {  	[smem:$0x3FB4] =	sst s0;
	s0 =	simm.s32 @!p2 $0x0  }
0x16: {  	s3 =	sld [smem:$0x3FDB];
	s0 =	simm.s32 @p2 $0x1  }
0x17: {  	s4 =	simm.s32 $0x1BF5;
	[smem:$0x3FB6] =	sst s0  }
0x18: {  	s0 =	sld [smem:$0x3F99];
	_ =	swait.ge [sflag:s4], $0x0  }
0x19: {  	s7 =	sld [smem:$0x3F9A]  }
0x1a: {  	s8 =	sadd.s32 $0xFFFFE003, lr  }
0x1b: {  	s9 =	sadd.s32 $0xFFFFFEF7, lr;
	s5 =	simm.s32 $0xFFFFFFFF;
	p2 =	slt.u32 s8, $0xFFFFF086  }
0x1c: {  	p1 =	slt.u32 s9, $0xF7A;
	s5 =	simm.s32 @!p2 $0x0  }
0x1d: {  	s5 =	simm.s32 @p1 $0x1;
	p0 =	seq.s32 s7, s2  }
0x1e: {  	s7 =	smul.u32 @!p0 $0xF7A, s2;
	p2 =	seq.s32 @!p0 s5, $0x0  }
0x1f: {  	s9 =	smul.u32 $0xF7A, s1;
	s8 =	simm.s32 @!p0 $0x1BF5;
	p2 =	por !p2, p0  }
0x20: {  	[sflag:s8] =	ssyncset.s32 @!p0 $0xFFFFF086;
	s6 =	sadd.s32 @!p0 s3, s7;
	s7 =	simm.s32 @!p0 $0x108  }
0x21: {  	s3 =	sadd.s32 s3, s9;
	s6 =	sadd.s32 @!p0 $0x88, s6;
	s7 =	simm.s32 @p2 $0x1082  }
0x22: {  	[simem:s7], [sflag:s8] =	dma.local @!p0 [hbm:s6], $0xF7A  }
0x23: {  	s9 =	sor.u32 $0xD0000000, s2;
	s6 =	simm.s32 $0x108;
	_ =	swait.ge @!p0 [sflag:s8], $0x0  }
0x24: {  	s3 =	sadd.s32 $0x88, s3;
	s6 =	simm.s32 @!p1 $0x1082;
	[sflag:s4] =	ssyncset.s32 $0xFFFFF086  }
0x25: {  	[simem:s6], [sflag:s4] =	dma.local [hbm:s3], $0xF7A  }
0x26: {  	[smem:$0x3F9A] =	sst s1;
	(tag) =	ssettag s2;
	_ =	strace s9  }
0x27: {  	s1 =	sld [smem:$0x3FAA]  }
0x28: {  	s2 =	sld [smem:$0x3FAB]  }
0x29: {  	s4 =	sld [smem:$0x3FAD]  }
0x2a: {  	p0 =	seq.s32 s5, $0x0;
	s5 =	sld [smem:$0x3FAE]  }
0x2b: {  	s6 =	sld [smem:$0x3FAF]  }
0x2c: {  	s7 =	sld [smem:$0x3FB0]  }
0x2d: {  	s3 =	simm.s32 $0x108;
	s8 =	sld [smem:$0x3FB1]  }
0x2e: {  	s3 =	simm.s32 @!p0 $0x1082;
	s9 =	sld [smem:$0x3FB2]  }
0x2f: {  	lr =	sadd.s32 s0, s3;
	s0 =	sld [smem:$0x3FA9]  }
0x30: {  	s3 =	sld [smem:$0x3FAC]  }
0x31: {  	[smem:$0x3FB5] =	sst s10  }
0x32: {  	s10 =	sld [smem:$0x3FB3];
	_ =	sdelay $0x3  }
0x33: {  	p0 =	seq.s32 s10, $0x1;
	s10 =	sld [smem:$0x3FB5];
	_ =	sdelay $0x3  }
0x34: {  	[smem:$0x3FB5] =	sst s10  }
0x35: {  	s10 =	sld [smem:$0x3FB4];
	_ =	sdelay $0x3  }
0x36: {  	p1 =	seq.s32 s10, $0x1;
	s10 =	sld [smem:$0x3FB5];
	_ =	sdelay $0x3  }
0x37: {  	[smem:$0x3FB5] =	sst s10  }
0x38: {  	s10 =	sld [smem:$0x3FB6]  }
0x39: {  	_ = 	snop;
	(pc) =	sbr.ind lr, $3  }
0x3a: {  	_ = 	snop  }
0x3b: {  	_ = 	snop  }
0x3c: {  	p2 =	seq.s32 s10, $0x1;
	s10 =	sld [smem:$0x3FB5]  }
0x3d: {  	_ =	shalt  }
0x3e: {  	_ =	shalt  }
0x3f: {  	_ =	shalt  }
0x40: {  	_ =	shalt  }
0x41: {  	_ =	shalt  }
0x42: {  	_ =	shalt  }
0x43: {  	_ =	shalt  }
0x44: {  	_ =	shalt  }
0x45: {  	_ =	shalt  }
0x46: {  	_ =	shalt  }
0x47: {  	_ =	shalt  }
0x48: {  	_ =	shalt  }
0x49: {  	_ =	shalt  }
0x4a: {  	_ =	shalt  }
0x4b: {  	_ =	shalt  }
0x4c: {  	_ =	shalt  }
0x4d: {  	_ =	shalt  }
0x4e: {  	_ =	shalt  }
0x4f: {  	_ =	shalt  }
0x50: {  	_ =	shalt  }
0x51: {  	_ =	shalt  }
0x52: {  	_ =	shalt  }
0x53: {  	_ =	shalt  }
0x54: {  	_ =	shalt  }
0x55: {  	_ =	shalt  }
0x56: {  	_ =	shalt  }
0x57: {  	_ =	shalt  }
0x58: {  	_ =	shalt  }
0x59: {  	_ =	shalt  }
0x5a: {  	_ =	shalt  }
0x5b: {  	_ =	shalt  }
0x5c: {  	_ =	shalt  }
0x5d: {  	_ =	shalt  }
0x5e: {  	_ =	shalt  }
0x5f: {  	_ =	shalt  }
0x60: {  	_ =	shalt  }
0x61: {  	_ =	shalt  }
0x62: {  	_ =	shalt  }
0x63: {  	_ =	shalt  }
0x64: {  	_ =	shalt  }
0x65: {  	_ =	shalt  }
0x66: {  	_ =	shalt  }
0x67: {  	_ =	shalt  }
0x68: {  	_ =	shalt  }
0x69: {  	_ =	shalt  }
0x6a: {  	_ =	shalt  }
0x6b: {  	_ =	shalt  }
0x6c: {  	_ =	shalt  }
0x6d: {  	_ =	shalt  }
0x6e: {  	_ =	shalt  }
0x6f: {  	_ =	shalt  }
0x70: {  	_ =	shalt  }
0x71: {  	_ =	shalt  }
0x72: {  	_ =	shalt  }
0x73: {  	_ =	shalt  }
0x74: {  	_ =	shalt  }
0x75: {  	_ =	shalt  }
0x76: {  	_ =	shalt  }
0x77: {  	_ =	shalt  }
0x78: {  	_ =	shalt  }
0x79: {  	_ =	shalt  }
0x7a: {  	_ =	shalt  }
0x7b: {  	_ =	shalt  }
0x7c: {  	_ =	shalt  }
0x7d: {  	_ =	shalt  }
0x7e: {  	_ =	shalt  }
0x7f: {  	_ =	shalt  }
0x80: {  	_ =	shalt  }
0x81: {  	_ =	shalt  }
0x82: {  	_ =	shalt  }
0x83: {  	_ =	shalt  }
0x84: {  	_ =	shalt  }
0x85: {  	_ =	shalt  }
0x86: {  	_ =	shalt  }
0x87: {  	_ =	shalt  }
.Lfunc_end0:
.L_simem_size_0:
called_computation_lowered:
.L_overlay_start_0:
0x88: {  	s2 =	sld [smem:$0x3FD9]  }
0x89: {  	s3 =	sld [smem:$0x3FFE];
	_ =	sdelay $0x1  }
0x8a: {  	s1 =	srdreg.scid  }
0x8b: {  	s0 =	sand.u32 $0x1, s1  }
0x8c: {  	s16 =	sshll.u32 s0, $0xA;
	s2 =	sadd.s32 s3, s2  }
0x8d: {  	s2 =	sadd.s32 s2, s16  }
0x8e: {  	[smem:$0x3FC1] =	sst s2  }
0x8f: {  	_ = 	snop  }
0x90: {  	(tm) =	ssettm $0x1  }
0x91: {  	s17 =	sld [smem:$0x3FFB];
	_ =	sdelay $0x3  }
0x92: {  	_ =	strace s17  }
0x93: {  	s2 =	sld [smem:$0x3FFC];
	_ =	sdelay $0x3  }
0x94: {  	_ =	strace s2  }
0x95: {  	s2 =	sld [smem:$0x3FFD];
	_ =	sdelay $0x3  }
0x96: {  	_ =	strace s2  }
0x97: {  	_ =	strace $0x8FFFFFFF  }
0x98: {  	s18 =	sld [smem:$0x3FDB];
	_ =	sdelay $0x1  }
0x99: {  	s19 =	simm.s32 $_scs_section_size  }
0x9a: {  	s4 =	simm.s32 $_size__tile_overlayer_lowered;
	s5 =	simm.s32 $_tile_overlayer_lowered  }
0x9b: {  	s22 =	simm.s32 $0x1BFF;
	s21 =	sshll.u32 s5, $0x1;
	s2 =	sadd.s32 s19, s18  }
0x9c: {  	s6 =	simm.s32 $0x0;
	s20 =	sshll.u32 s4, $0x1;
	s4 =	sadd.s32 s21, s2  }
0x9d: {  	[timem:s6], [sflag:s22] =	dma.local [hbm:s4], s20  }
0x9e: {  	_ =	swait.ge [sflag:s22], s20  }
0x9f: {  	s3 =	ssub.s32 $0x0, s20;
	[sflag:s22] =	ssyncset.done $0x0  }
0xa0: {  	[sflag:s22] =	ssyncadd.s32 s3;
	_ =	sdelay $0x1  }
0xa1: {  	s23 =	simm.s32 $0x1B8B  }
0xa2: {  	_ =	swait.ge [sflag:s23], $0x1  }
0xa3: {  	[sflag:s23] =	ssyncset.done $0x0  }
0xa4: {  	s25 =	simm.s32 $0x1B8E;
	s24 =	sld [smem:$0x3FFE];
	[sflag:s23] =	ssyncadd.s32 $0xFFFFFFFF  }
0xa5: {  	s26 =	simm.s32 $execute0_lowered;
	[smem:$0x3FD2] =	sst s25  }
0xa6: {  	s4 =	sshll.u32 s26, $0x1;
	_ =	strace $0x80000046;
	[dreg:$0x1] =	wrdreg $0xFFFFFFFF  }
0xa7: {  	s28 =	simm.s32 $_size_execute0_lowered;
	s2 =	sadd.s32 s2, s4;
	[dreg:$0x0] =	wrdreg $0x0  }
0xa8: {  	s4 =	sshll.u32 s28, $0x1;
	[dreg:$0x2] =	wrdreg s2  }
0xa9: {  	[dreg:$0x3] =	wrdreg s4  }
0xaa: {  	[dreg:$0x4] =	wrdreg $0xC0  }
0xab: {  	_ =	task [dreg:s6], $0x5FFFF  }
0xac: {  	[dreg:$0x1] =	wrdreg $0xFFFFFFFF  }
0xad: {  	[dreg:$0x0] =	wrdreg $0x60  }
0xae: {  	[dreg:$0x2] =	wrdreg s24  }
0xaf: {  	[dreg:$0x3] =	wrdreg $0x57800  }
0xb0: {  	[dreg:$0x4] =	wrdreg $0x9  }
0xb1: {  	_ =	task.clear_ibuf [dreg:s6], $0x5FFFF;
	_ =	strace $0x90000046  }
0xb2: {  	s29 =	simm.s32 $0x9;
	_ =	strace $0x80000048  }
0xb3: {  	_ =	swait.ge [sflag:s29], $0x1  }
0xb4: {  	[sflag:s29] =	ssyncadd.s32 $0xFFFFFFFF  }
0xb5: {  	_ =	strace $0x90000048  }
0xb6: {  	_ =	sfence  }
0xb7: {  	s30 =	sld [smem:$0x0];
	_ =	sdelay $0x2  }
0xb8: {  	s31 =	sshll.u32 s1, $0xD;
	s1 =	sshrl.u32 s1, $0x2  }
0xb9: {  	s3 =	sand.u32 $0x4000, s31;
	s1 =	sadd.s32 s1, s30  }
0xba: {  	s0 =	sor.u32 s3, s0;
	s1 =	sshll.u32 s1, $0x11  }
0xbb: {  	s0 =	sor.u32 s1, s0  }
0xbc: {  	s0 =	sadd.s32 $0x8F2B, s0  }
0xbd: {  	[sflag:s0] =	ssyncadd.remote.s32 $0x1  }
0xbe: {  	_ =	sfence.sel $0xFFFF  }
0xbf: {  	[dreg:$0x0] =	wrdreg $0xFFFFFFFF;
	(pc) =	sbr.abs _section_cstart, $3  }
0xc0: {  	[dreg:$0x1] =	wrdreg $0xFFFFFFFF  }
0xc1: {  	_ =	task.clear_ibuf [dreg:s6], $0x2FFFF;
	_ =	strace $0x9FFFFFFF  }
0xc2: {  	(tm) =	ssettm $0x7FFFFFFF  }
0xc3: {  	_ =	shalt  }
tec
execute0_lowered:
.L_overlay_start_1:
0x0: {  	(tag) =	ssettag $0x1  }
0x1: {  	s6 =	rddreg [dreg:$0x0]  }
0x2: {  	s1 =	srdreg.scid;
	s0 =	stileid.u32  }
0x3: {  	s2 =	rddreg [dreg:$0x1];
	s3 =	simm.s32 $0x0;
	s10 =	simm.s32 $0xCE00  }
0x4: {  	s11 =	simm.s32 $0x2800;
	s4 =	sand.u32 $0x1, s1;
	s1 =	rddreg [dreg:$0x2]  }
0x5: {  	s5 =	sshll.u32 s0, $0x1;
	[smem:$0x7FF] =	sst s3;
	s8 =	smul.u32 $0x2780, s0  }
0x6: {  	s12 =	sshll.u32 s0, $0x6;
	s5 =	sor.u32 s4, s5;
	_ =	strace $0x80000047  }
0x7: {  	s7 =	ssub.s32 $0x2, s4;
	p0 =	seq.s32 s4, $0x1;
	s12 =	sor.u32 $0x1C01, s12  }
0x8: {  	s5 =	smul.u32 $0x500, s5;
	s9 =	sshrl.u32 s7, $0x1;
	s4 =	sadd.s32 s8, s2  }
0x9: {  	s10 =	simm.s32 @!p0 $0x11E00;
	s8 =	sshrl.u32 s8, $0x3;
	s7 =	ssub.s32 s7, s9  }
0xa: {  	s31 =	sadd.s32 s10, s6;
	s9 =	simm.s32 $0x1;
	s10 =	simm.s32 $0x80  }
0xb: {  	s13 =	sshrl.u32 s4, $0x3;
	s5 =	sadd.s32 s5, s6;
	s6 =	smax.u32 s7, $0x1  }
0xc: {  	v0 =	vimm.f32 $1.000000000e+00;
	v1 =	vimm.f32 $0.0e+00;
	s7 =	sadd.s32 s31, s8;
	s8 =	simm.s32 $0x3000;
	s5 =	sadd.s32 $0x2E00, s5  }
.LBB2_1:
0xd: {  	s14 =	simm.s32 $0x0  }
.LBB2_2:
0xe: {  	p0 =	sne.s32 s14, $0x1FC0  }
.Ltmp0:
0xf: {  	_ = 	snop;
	(pc) =	sbr.rel @p0 .LBB2_2-.Ltmp0, $3  }
0x10: {  	_ =	sdelay $0x1  }
0x11: {  	s15 =	sshra.s32 s14, $0x2  }
0x12: {  	s14 =	sadd.s32 $0x40, s14;
	[tilespmem:s15+$0x2800] =	vst v0  }
0x13: {  	s14 =	simm.s32 $0x40;
	s15 =	simm.s32 $0x0  }
.LBB2_4:
0x14: {  	p0 =	sne.s32 s14, $0x9DC0;
	[tilespmem:s15+$0x3000] =	vst v1;
	s15 =	smov.u32 s14;
	s14 =	sadd.s32 $0x40, s14  }
.Ltmp1:
0x15: {  	(pc) =	sbr.rel @p0 .LBB2_4-.Ltmp1, $2  }
0x16: {  	_ =	sdelay $0x2  }
0x17: {  	s15 =	sshra.s32 s15, $0x2  }
0x18: {  	[tilespmem:s15+$0x3000] =	vst v1  }
0x19: {  	[spmem:s4] =	stream.linear.scatter [tilespmem:s8], [sflag:$0x1], $0x2780, $0x38;
	[tilespmem:$0x7F00] =	vst v63  }
0x1a: {  	_ =	swait.ge [sflag:s9], $0x2780  }
0x1b: {  	[sflag:s9] =	ssyncset.done $0x0  }
0x1c: {  	s14 =	simm.s32 $0x0;
	[sflag:s9] =	ssyncadd.s32 $0xFFFFD880  }
0x1d: {  	[tilespmem:s14], [sflag:$0x1] =	stream.linear.gather [hbm4b:s5+s14], $0x2800, $0x38;
	[tilespmem:$0x7F00] =	vst v63  }
0x1e: {  	_ =	swait.ge [sflag:s9], $0x2800  }
0x1f: {  	[sflag:s9] =	ssyncset.done $0x0  }
0x20: {  	[sflag:s9] =	ssyncadd.s32 $0xFFFFD800  }
0x21: {  	s31 =	simm.s32 $0x0;
	[bflag:$0x0] =	sbarrier.arrive $0xFFFF  }
0x22: {  	[spmem:s2] =	stream.indirect.scatter.add.f32 [tilespmem:s11], [sflag:$0x1], $0x10, s31, s10, $0xb8;
	[tilespmem:$0x7F00] =	vst v63  }
0x23: {  	_ =	swait.ge [sflag:s9], $0x800  }
0x24: {  	s14 =	simm.s32 $0x200;
	[sflag:s9] =	ssyncset.done $0x0  }
.LBB2_6:
0x25: {  	s15 =	sshra.s32 s14, $0x2;
	[sflag:s9] =	ssyncadd.s32 $0xFFFFF800;
	p0 =	sne.s32 s14, $0x9E00  }
0x26: {  	[spmem:s2] =	stream.indirect.scatter.add.f32 [tilespmem:s11], [sflag:$0x1], $0x10, s15, s10, $0xb8;
	[tilespmem:$0x7F00] =	vst v63  }
.Ltmp2:
0x27: {  	_ = 	snop;
	(pc) =	sbr.rel @p0 .LBB2_6-.Ltmp2, $4  }
0x28: {  	_ = 	snop  }
0x29: {  	s14 =	sadd.s32 $0x200, s14  }
0x2a: {  	_ =	swait.ge [sflag:s9], $0x800  }
0x2b: {  	[sflag:s9] =	ssyncset.done $0x0  }
0x2c: {  	s3 =	sadd.s32 $0x1, s3  }
0x2d: {  	[sflag:s9] =	ssyncadd.s32 $0xFFFFF800;
	p0 =	sne.s32 s3, s6  }
.Ltmp3:
0x2e: {  	[bflag:$0x0] =	sbarrier.arrive $0xFFFF;
	(pc) =	sbr.rel @p0 .LBB2_1-.Ltmp3, $4  }
0x2f: {  	[hbm:s7], [sflag:s12] =	dma.local [spmem:s13], $0x4F0  }
0x30: {  	_ =	swait.ge [sflag:s9], $0x4F0  }
0x31: {  	[sflag:s9] =	ssyncset.done $0x0  }
0x32: {  	[sflag:s9] =	ssyncadd.s32 $0xFFFFFB10  }
0x33: {  	_ =	sfence.sel $0x180000  }
0x34: {  	[bflag:$0x0] =	sbarrier.arrive $0xFFFF  }
0x35: {  	p0 =	sne.s32 s0, $0x0;
	_ =	strace $0x90000047  }
0x36: {  	s0 =	sadd.s32 @!p0 $0x100000, s1;
	[bflag:$0x2] =	sbarrier.arrive $0xFFFF  }
0x37: {  	[sflag:s0] =	ssyncadd.tile.s32 @!p0 $0x1;
	_ =	shalt  }
.Lfunc_end2:
_tile_overlayer_lowered:
.L_overlay_start_2:
0x38: {  	(tag) =	ssettag $0x2  }
0x39: {  	s0 =	rddreg [dreg:$0x0];
	s2 =	stileid.u32  }
0x3a: {  	s1 =	rddreg [dreg:$0x1];
	p0 =	sne.s32 s2, $0x0  }
0x3b: {  	s3 =	rddreg [dreg:$0x2];
	[bflag:$0x3] =	sbarrier.arrive $0xFFFF;
	s2 =	simm.s32 @!p0 $0x1C01  }
0x3c: {  	[timem:s3], [sflag:s2] =	dma.local @!p0 [hbm:s0], s1  }
0x3d: {  	s0 =	simm.s32 @!p0 $0x1  }
0x3e: {  	_ =	swait.ge @!p0 [sflag:s0], s1  }
0x3f: {  	s1 =	ssub.s32 @!p0 $0x0, s1;
	[sflag:s0] =	ssyncset.done @!p0 $0x0  }
0x40: {  	[sflag:s0] =	ssyncadd.s32 @!p0 s1  }
0x41: {  	[bflag:$0x3] =	sbarrier.arrive $0xFFFF  }
0x42: {  	_ =	shalt  }

</sc_bundles>
